<compile_context>
chip_gen: v7x
topology: tpu7x:2x2x1
jax: 0.10.2.dev20260603
libtpu: 0.0.44.dev20260713+nightly
codegen_flags: <defaults>
</compile_context>

<pallas_src>
import functools

import jax
import jax.numpy as jnp
from jax import lax
from jax.experimental import layout as jex_layout
from jax.experimental import pallas as pl
from jax.experimental.pallas import tpu as pltpu
from jax.experimental.pallas import tpu_sc as plsc

_L = 16
_NC = 2
_NS = 16
_NW = _NC * _NS
_CH = 128

_MESH = dict(core_axis_name="c", subcore_axis_name="s",
             num_cores=_NC, num_subcores=_NS)
_PARAMS = dict(needs_layout_passes=False, use_tc_tiling_on_sc=False)


def _route_body(seq, senses, xr_hbm, wg_hbm, srows_hbm, s0_hbm, xr_v, crow_v,
                srow_v, s0_v, sem):
    nctx = seq - 2
    wid = lax.axis_index("s") * _NC + lax.axis_index("c")

    @pl.when(wid == 0)
    def _():
        g0 = pltpu.async_copy(xr_hbm, xr_v, sem)
        g2 = pltpu.async_copy(srows_hbm, srow_v, sem)
        g0.wait()
        iota = lax.iota(jnp.int32, _L)
        cidx = plsc.load_gather(xr_v, [jnp.minimum(iota + 2, seq - 1)])
        g1 = pltpu.async_copy(wg_hbm.at[cidx], crow_v, sem)
        g1.wait()
        g2.wait()

        ctx0 = jnp.zeros((_L,), jnp.float32)
        ctx1 = jnp.zeros((_L,), jnp.float32)
        for j in range(nctx):
            ctx0 = ctx0 + crow_v[j, pl.ds(0, _L)]
            ctx1 = ctx1 + crow_v[j, pl.ds(_L, _L)]

        def _score(s):
            p = srow_v[s, pl.ds(0, _L)] * ctx0 + srow_v[s, pl.ds(_L, _L)] * ctx1
            return jnp.sum(p)

        best_v = _score(0)
        best_s = jnp.int32(0)
        for s in range(1, senses):
            v = _score(s)
            upd = v > best_v
            best_s = jnp.where(upd, jnp.int32(s), best_s)
            best_v = jnp.where(upd, v, best_v)
        s0_v[...] = jnp.broadcast_to(best_s, (_L,))
        pltpu.sync_copy(s0_v, s0_hbm)


def _main_body(nb, dim, xt_hbm, wg_hbm, wsp_hbm, out_hbm,
               idxs_v, idxg_v, ws_v, wg_v, out_v, sem_i, sem_rows):
    bw = nb // _NW
    nch = bw // _CH
    wid = lax.axis_index("s") * _NC + lax.axis_index("c")
    base = wid * bw

    icp, waits = [], []
    for c in range(nch):
        icp.append(pltpu.async_copy(
            xt_hbm.at[0, pl.ds(base + c * _CH, _CH)], idxs_v.at[c], sem_i))
        icp.append(pltpu.async_copy(
            xt_hbm.at[1, pl.ds(base + c * _CH, _CH)], idxg_v.at[c], sem_i))
    for c in range(nch):
        icp[2 * c].wait()
        waits.append(pltpu.async_copy(
            wsp_hbm.at[idxs_v.at[c]], ws_v.at[pl.ds(c * _CH, _CH)], sem_rows))
        icp[2 * c + 1].wait()
        waits.append(pltpu.async_copy(
            wg_hbm.at[idxg_v.at[c]], wg_v.at[pl.ds(c * _CH, _CH)], sem_rows))
    for w in waits:
        w.wait()

    iota = lax.iota(jnp.int32, _L)

    def _group(g, carry):
        acc = jnp.zeros((_L,), jnp.float32)
        for r in range(_L):
            row = g * _L + r
            p = (ws_v[row, pl.ds(0, _L)] * wg_v[row, pl.ds(0, _L)]
                 + ws_v[row, pl.ds(_L, _L)] * wg_v[row, pl.ds(_L, _L)])
            acc = jnp.where(iota == r, jnp.sum(p), acc)
        out_v[pl.ds(g * _L, _L)] = 1.0 / (1.0 + jnp.exp(-acc))
        return carry

    lax.fori_loop(0, bw // _L, _group, 0)

    pltpu.sync_copy(out_v, out_hbm.at[pl.ds(base, bw)])


def kernel(x, W_g, W_s):
    nb, seq = x.shape
    vocab, senses, dim = W_s.shape
    bw = nb // _NW
    assert nb % (_NW * _CH) == 0 and dim == 2 * _L
    xr16 = jnp.pad(x[0], (0, _L - seq))
    srows = jnp.take(W_s, x[0, 0], axis=0)

    W_g = jex_layout.with_layout_constraint(
        W_g, jex_layout.Layout(major_to_minor=(0, 1), tiling=((1024,),)))

    route = pl.kernel(
        functools.partial(_route_body, seq, senses),
        out_type=jax.ShapeDtypeStruct((_L,), jnp.int32),
        mesh=plsc.VectorSubcoreMesh(**_MESH),
        compiler_params=pltpu.CompilerParams(**_PARAMS),
        scratch_types=[
            pltpu.VMEM((_L,), jnp.int32),
            pltpu.VMEM((_L, dim), jnp.float32),
            pltpu.VMEM((senses, dim), jnp.float32),
            pltpu.VMEM((_L,), jnp.int32),
            pltpu.SemaphoreType.DMA,
        ],
    )
    s0 = route(xr16, W_g, srows)[0]

    wsp = lax.dynamic_index_in_dim(W_s, s0, axis=1, keepdims=False)
    wsp = jex_layout.with_layout_constraint(
        wsp, jex_layout.Layout(major_to_minor=(0, 1), tiling=((1024,),)))

    main = pl.kernel(
        functools.partial(_main_body, nb, dim),
        out_type=jax.ShapeDtypeStruct((nb,), jnp.float32),
        mesh=plsc.VectorSubcoreMesh(**_MESH),
        compiler_params=pltpu.CompilerParams(**_PARAMS),
        scratch_types=[
            pltpu.VMEM((bw // _CH, _CH), jnp.int32),
            pltpu.VMEM((bw // _CH, _CH), jnp.int32),
            pltpu.VMEM((bw, dim), jnp.float32),
            pltpu.VMEM((bw, dim), jnp.float32),
            pltpu.VMEM((bw,), jnp.float32),
            pltpu.SemaphoreType.DMA,
            pltpu.SemaphoreType.DMA,
        ],
    )
    return main(x.T, W_g, wsp)

# --- scband reference (transcript-rebuilt; emitter-appended) ---
"""Pipeline reference for scband-sense-embedding-48172353191982 (READ-ONLY COPY).

The authoritative reference and input builder live on the scoring server;
editing this copy changes nothing except your own understanding.
"""

import jax, jax.numpy as jnp
import numpy as np

VOCAB = 100000
DIM = 32
SENSES = 8
BATCH = 16384
SEQ = 12


def setup_inputs(seed: int = 0):
    key = jax.random.key(seed)
    k1, k2, k3 = jax.random.split(key, 3)
    x = jax.random.randint(k1, (BATCH, SEQ), 0, VOCAB, dtype=jnp.int32)
    W_g = jax.random.uniform(k2, (VOCAB, DIM), minval=-0.05, maxval=0.05, dtype=jnp.float32)
    W_s = jax.random.uniform(k3, (VOCAB, SENSES, DIM), minval=-0.05, maxval=0.05, dtype=jnp.float32)
    return {"x": x, "W_g": W_g, "W_s": W_s}


def _forward(W_g, W_s, x):
    nb = x.shape[0]
    # sum of global vectors of the context words x[:, 2:]
    sum_context = jnp.sum(jnp.take(W_g, x[:, 2:], axis=0), axis=1)  # [nb, d]
    # sense vectors of the target word x[:, 0]
    target_senses = jnp.take(W_s, x[:, 0], axis=0)  # [nb, S, d]
    sequence_vectors = jnp.transpose(target_senses, (1, 0, 2))  # [S, nb, d]
    # theano scan over senses: diag(dot(w, sum_context.T)) == rowwise dot
    scores = jnp.einsum('snd,nd->sn', sequence_vectors, sum_context)  # [S, nb]
    right_senses = jnp.argmax(scores, axis=0)  # [nb]
    # original indexing: W_s[x[:,0]][:, right_senses, :][T.arange(nb), 0]
    # == target_senses[i, right_senses[0], :] for each row i (numpy advanced-indexing
    # semantics), written here without materializing the [nb, nb, d] intermediate.
    context_sense_vectors = target_senses[:, right_senses[0], :]  # [nb, d]
    # diag(dot(csv, W_g[x[:,1]].T)) == rowwise dot
    dot_prod = jnp.sum(context_sense_vectors * jnp.take(W_g, x[:, 1], axis=0), axis=1)  # [nb]
    return jax.nn.sigmoid(dot_prod)


def reference(x, W_g, W_s):
    return _forward(W_g, W_s, x)

if __name__ == "__main__":
    import jax
    _d = setup_inputs()
    print(jax.jit(kernel)(*tuple(_d.values())))

</pallas_src>

<mosaic_0001>
#map = affine_map<(d0, d1) -> (0)>
#map1 = affine_map<(d0, d1) -> (0, 0)>
module attributes {stable_mosaic.version = 14 : i64} {
  func.func @_route_body(%arg0: i32, %arg1: i32, %arg2: memref<16xi32, #tpu.memory_space<hbm>>, %arg3: memref<100000x32xf32, #tpu.memory_space<hbm>>, %arg4: memref<8x32xf32, #tpu.memory_space<hbm>>, %arg5: memref<16xi32, #tpu.memory_space<hbm>>, %arg6: memref<16xi32, #tpu.memory_space<vmem>>, %arg7: memref<16x32xf32, #tpu.memory_space<vmem>>, %arg8: memref<8x32xf32, #tpu.memory_space<vmem>>, %arg9: memref<16xi32, #tpu.memory_space<vmem>>, %arg10: memref<!tpu.dma_semaphore, #tpu.memory_space<semaphore_mem>>) attributes {dimension_semantics = [#tpu.dimension_semantics<core_parallel>, #tpu.dimension_semantics<subcore_parallel>], iteration_bounds = array<i64: 2, 16>, scalar_prefetch = 0 : i64, scratch_operands = 5 : i64, tpu.core_type = #tpu.core_type<sc_vector_subcore>, window_params = [{transform_indices = #map}, {transform_indices = #map1}, {transform_indices = #map1}, {transform_indices = #map}]} {
    %mul3A = arith.constant 2 : i32
    %mul3A_0 = arith.muli %arg1, %mul3A : i32
    %add3A = arith.addi %mul3A_0, %arg0 : i32
    %eq3A = arith.constant 0 : i32
    %eq3A_1 = arith.cmpi eq, %add3A, %eq3A : i32
    %convert_element_type3A = arith.extui %eq3A_1 : i1 to i32
    %cond3A = arith.constant 0 : i32
    %cond3A_2 = arith.cmpi ne, %convert_element_type3A, %cond3A : i32
    scf.if %cond3A_2 {
      tpu.enqueue_dma source(%arg2 : memref<16xi32, #tpu.memory_space<hbm>>) target(%arg6 : memref<16xi32, #tpu.memory_space<vmem>>) target_semaphore(%arg10 : memref<!tpu.dma_semaphore, #tpu.memory_space<semaphore_mem>>)
      tpu.enqueue_dma source(%arg4 : memref<8x32xf32, #tpu.memory_space<hbm>>) target(%arg8 : memref<8x32xf32, #tpu.memory_space<vmem>>) target_semaphore(%arg10 : memref<!tpu.dma_semaphore, #tpu.memory_space<semaphore_mem>>)
      tpu.wait_dma2 semaphore(%arg10 : memref<!tpu.dma_semaphore, #tpu.memory_space<semaphore_mem>>) src(%arg2 : memref<16xi32, #tpu.memory_space<hbm>>) dst(%arg6 : memref<16xi32, #tpu.memory_space<vmem>>)
      %iota3A = tpu.iota {dimensions = array<i32: 0>} : vector<16xi32>
      %add3A_3 = arith.constant 2 : i32
      %add3A_4 = vector.broadcast %add3A_3 : i32 to vector<16xi32>
      %add3A_5 = arith.addi %iota3A, %add3A_4 : vector<16xi32>
      %min3A = arith.constant 11 : i32
      %min3A_6 = vector.broadcast %min3A : i32 to vector<16xi32>
      %min3A_7 = arith.minsi %add3A_5, %min3A_6 : vector<16xi32>
      %gather3A = tpu.vector_load_idx %arg6[%min3A_7] : memref<16xi32, #tpu.memory_space<vmem>>[vector<16xi32>], vector<16xi32>,
      %dma_start3A = arith.constant 0 : i32
      %dma_start3A_8 = arith.constant 0 : i32
      %dma_start3A_9 = tpu.memref_slice %arg3[%dma_start3A, %dma_start3A_8] : memref<100000x32xf32, #tpu.memory_space<hbm>> -> memref<100000x32xf32, #tpu.memory_space<hbm>>
      tpu.enqueue_indirect_dma source(%dma_start3A_9 : memref<100000x32xf32, #tpu.memory_space<hbm>>) target(%arg7 : memref<16x32xf32, #tpu.memory_space<vmem>>) offsets(%gather3A : vector<16xi32>) semaphore(%arg10 : memref<!tpu.dma_semaphore, #tpu.memory_space<semaphore_mem>>)
      %dma_wait3A = arith.constant 0 : i32
      %dma_wait3A_10 = arith.constant 0 : i32
      %dma_wait3A_11 = tpu.memref_slice %arg3[%dma_wait3A, %dma_wait3A_10] : memref<100000x32xf32, #tpu.memory_space<hbm>> -> memref<100000x32xf32, #tpu.memory_space<hbm>>
      tpu.wait_indirect_dma semaphore(%arg10 : memref<!tpu.dma_semaphore, #tpu.memory_space<semaphore_mem>>) src(%dma_wait3A_11 : memref<100000x32xf32, #tpu.memory_space<hbm>>) dst(%arg7 : memref<16x32xf32, #tpu.memory_space<vmem>>)
      tpu.wait_dma2 semaphore(%arg10 : memref<!tpu.dma_semaphore, #tpu.memory_space<semaphore_mem>>) src(%arg4 : memref<8x32xf32, #tpu.memory_space<hbm>>) dst(%arg8 : memref<8x32xf32, #tpu.memory_space<vmem>>)
      %broadcast_in_dim3A = arith.constant 0.000000e+00 : f32
      %broadcast_in_dim3A_12 = vector.broadcast %broadcast_in_dim3A : f32 to vector<16xf32>
      %broadcast_in_dim3A_13 = arith.constant 0.000000e+00 : f32
      %broadcast_in_dim3A_14 = vector.broadcast %broadcast_in_dim3A_13 : f32 to vector<16xf32>
      %get3A = arith.constant 0 : i32
      %get3A_15 = arith.index_cast %get3A : i32 to index
      %get3A_16 = arith.constant 0 : index
      %get3A_17 = tpu.vector_load %arg7[%get3A_15, %get3A_16] {strides = array<i32>} : memref<16x32xf32, #tpu.memory_space<vmem>>, vector<16xf32>,
      %add3A_18 = arith.addf %broadcast_in_dim3A_12, %get3A_17 : vector<16xf32>
      %get3A_19 = arith.constant 0 : i32
      %get3A_20 = arith.index_cast %get3A_19 : i32 to index
      %get3A_21 = arith.constant 16 : index
      %get3A_22 = tpu.vector_load %arg7[%get3A_20, %get3A_21] {strides = array<i32>} : memref<16x32xf32, #tpu.memory_space<vmem>>, vector<16xf32>,
      %add3A_23 = arith.addf %broadcast_in_dim3A_14, %get3A_22 : vector<16xf32>
      %get3A_24 = arith.constant 1 : i32
      %get3A_25 = arith.index_cast %get3A_24 : i32 to index
      %get3A_26 = arith.constant 0 : index
      %get3A_27 = tpu.vector_load %arg7[%get3A_25, %get3A_26] {strides = array<i32>} : memref<16x32xf32, #tpu.memory_space<vmem>>, vector<16xf32>,
      %add3A_28 = arith.addf %add3A_18, %get3A_27 : vector<16xf32>
      %get3A_29 = arith.constant 1 : i32
      %get3A_30 = arith.index_cast %get3A_29 : i32 to index
      %get3A_31 = arith.constant 16 : index
      %get3A_32 = tpu.vector_load %arg7[%get3A_30, %get3A_31] {strides = array<i32>} : memref<16x32xf32, #tpu.memory_space<vmem>>, vector<16xf32>,
      %add3A_33 = arith.addf %add3A_23, %get3A_32 : vector<16xf32>
      %get3A_34 = arith.constant 2 : i32
      %get3A_35 = arith.index_cast %get3A_34 : i32 to index
      %get3A_36 = arith.constant 0 : index
      %get3A_37 = tpu.vector_load %arg7[%get3A_35, %get3A_36] {strides = array<i32>} : memref<16x32xf32, #tpu.memory_space<vmem>>, vector<16xf32>,
      %add3A_38 = arith.addf %add3A_28, %get3A_37 : vector<16xf32>
      %get3A_39 = arith.constant 2 : i32
      %get3A_40 = arith.index_cast %get3A_39 : i32 to index
      %get3A_41 = arith.constant 16 : index
      %get3A_42 = tpu.vector_load %arg7[%get3A_40, %get3A_41] {strides = array<i32>} : memref<16x32xf32, #tpu.memory_space<vmem>>, vector<16xf32>,
      %add3A_43 = arith.addf %add3A_33, %get3A_42 : vector<16xf32>
      %get3A_44 = arith.constant 3 : i32
      %get3A_45 = arith.index_cast %get3A_44 : i32 to index
      %get3A_46 = arith.constant 0 : index
      %get3A_47 = tpu.vector_load %arg7[%get3A_45, %get3A_46] {strides = array<i32>} : memref<16x32xf32, #tpu.memory_space<vmem>>, vector<16xf32>,
      %add3A_48 = arith.addf %add3A_38, %get3A_47 : vector<16xf32>
      %get3A_49 = arith.constant 3 : i32
      %get3A_50 = arith.index_cast %get3A_49 : i32 to index
      %get3A_51 = arith.constant 16 : index
      %get3A_52 = tpu.vector_load %arg7[%get3A_50, %get3A_51] {strides = array<i32>} : memref<16x32xf32, #tpu.memory_space<vmem>>, vector<16xf32>,
      %add3A_53 = arith.addf %add3A_43, %get3A_52 : vector<16xf32>
      %get3A_54 = arith.constant 4 : i32
      %get3A_55 = arith.index_cast %get3A_54 : i32 to index
      %get3A_56 = arith.constant 0 : index
      %get3A_57 = tpu.vector_load %arg7[%get3A_55, %get3A_56] {strides = array<i32>} : memref<16x32xf32, #tpu.memory_space<vmem>>, vector<16xf32>,
      %add3A_58 = arith.addf %add3A_48, %get3A_57 : vector<16xf32>
      %get3A_59 = arith.constant 4 : i32
      %get3A_60 = arith.index_cast %get3A_59 : i32 to index
      %get3A_61 = arith.constant 16 : index
      %get3A_62 = tpu.vector_load %arg7[%get3A_60, %get3A_61] {strides = array<i32>} : memref<16x32xf32, #tpu.memory_space<vmem>>, vector<16xf32>,
      %add3A_63 = arith.addf %add3A_53, %get3A_62 : vector<16xf32>
      %get3A_64 = arith.constant 5 : i32
      %get3A_65 = arith.index_cast %get3A_64 : i32 to index
      %get3A_66 = arith.constant 0 : index
      %get3A_67 = tpu.vector_load %arg7[%get3A_65, %get3A_66] {strides = array<i32>} : memref<16x32xf32, #tpu.memory_space<vmem>>, vector<16xf32>,
      %add3A_68 = arith.addf %add3A_58, %get3A_67 : vector<16xf32>
      %get3A_69 = arith.constant 5 : i32
      %get3A_70 = arith.index_cast %get3A_69 : i32 to index
      %get3A_71 = arith.constant 16 : index
      %get3A_72 = tpu.vector_load %arg7[%get3A_70, %get3A_71] {strides = array<i32>} : memref<16x32xf32, #tpu.memory_space<vmem>>, vector<16xf32>,
      %add3A_73 = arith.addf %add3A_63, %get3A_72 : vector<16xf32>
      %get3A_74 = arith.constant 6 : i32
      %get3A_75 = arith.index_cast %get3A_74 : i32 to index
      %get3A_76 = arith.constant 0 : index
      %get3A_77 = tpu.vector_load %arg7[%get3A_75, %get3A_76] {strides = array<i32>} : memref<16x32xf32, #tpu.memory_space<vmem>>, vector<16xf32>,
      %add3A_78 = arith.addf %add3A_68, %get3A_77 : vector<16xf32>
      %get3A_79 = arith.constant 6 : i32
      %get3A_80 = arith.index_cast %get3A_79 : i32 to index
      %get3A_81 = arith.constant 16 : index
      %get3A_82 = tpu.vector_load %arg7[%get3A_80, %get3A_81] {strides = array<i32>} : memref<16x32xf32, #tpu.memory_space<vmem>>, vector<16xf32>,
      %add3A_83 = arith.addf %add3A_73, %get3A_82 : vector<16xf32>
      %get3A_84 = arith.constant 7 : i32
      %get3A_85 = arith.index_cast %get3A_84 : i32 to index
      %get3A_86 = arith.constant 0 : index
      %get3A_87 = tpu.vector_load %arg7[%get3A_85, %get3A_86] {strides = array<i32>} : memref<16x32xf32, #tpu.memory_space<vmem>>, vector<16xf32>,
      %add3A_88 = arith.addf %add3A_78, %get3A_87 : vector<16xf32>
      %get3A_89 = arith.constant 7 : i32
      %get3A_90 = arith.index_cast %get3A_89 : i32 to index
      %get3A_91 = arith.constant 16 : index
      %get3A_92 = tpu.vector_load %arg7[%get3A_90, %get3A_91] {strides = array<i32>} : memref<16x32xf32, #tpu.memory_space<vmem>>, vector<16xf32>,
      %add3A_93 = arith.addf %add3A_83, %get3A_92 : vector<16xf32>
      %get3A_94 = arith.constant 8 : i32
      %get3A_95 = arith.index_cast %get3A_94 : i32 to index
      %get3A_96 = arith.constant 0 : index
      %get3A_97 = tpu.vector_load %arg7[%get3A_95, %get3A_96] {strides = array<i32>} : memref<16x32xf32, #tpu.memory_space<vmem>>, vector<16xf32>,
      %add3A_98 = arith.addf %add3A_88, %get3A_97 : vector<16xf32>
      %get3A_99 = arith.constant 8 : i32
      %get3A_100 = arith.index_cast %get3A_99 : i32 to index
      %get3A_101 = arith.constant 16 : index
      %get3A_102 = tpu.vector_load %arg7[%get3A_100, %get3A_101] {strides = array<i32>} : memref<16x32xf32, #tpu.memory_space<vmem>>, vector<16xf32>,
      %add3A_103 = arith.addf %add3A_93, %get3A_102 : vector<16xf32>
      %get3A_104 = arith.constant 9 : i32
      %get3A_105 = arith.index_cast %get3A_104 : i32 to index
      %get3A_106 = arith.constant 0 : index
      %get3A_107 = tpu.vector_load %arg7[%get3A_105, %get3A_106] {strides = array<i32>} : memref<16x32xf32, #tpu.memory_space<vmem>>, vector<16xf32>,
      %add3A_108 = arith.addf %add3A_98, %get3A_107 : vector<16xf32>
      %get3A_109 = arith.constant 9 : i32
      %get3A_110 = arith.index_cast %get3A_109 : i32 to index
      %get3A_111 = arith.constant 16 : index
      %get3A_112 = tpu.vector_load %arg7[%get3A_110, %get3A_111] {strides = array<i32>} : memref<16x32xf32, #tpu.memory_space<vmem>>, vector<16xf32>,
      %add3A_113 = arith.addf %add3A_103, %get3A_112 : vector<16xf32>
      %get3A_114 = arith.constant 0 : i32
      %get3A_115 = arith.index_cast %get3A_114 : i32 to index
      %get3A_116 = arith.constant 0 : index
      %get3A_117 = tpu.vector_load %arg8[%get3A_115, %get3A_116] {strides = array<i32>} : memref<8x32xf32, #tpu.memory_space<vmem>>, vector<16xf32>,
      %mul3A_118 = arith.mulf %get3A_117, %add3A_108 : vector<16xf32>
      %get3A_119 = arith.constant 0 : i32
      %get3A_120 = arith.index_cast %get3A_119 : i32 to index
      %get3A_121 = arith.constant 16 : index
      %get3A_122 = tpu.vector_load %arg8[%get3A_120, %get3A_121] {strides = array<i32>} : memref<8x32xf32, #tpu.memory_space<vmem>>, vector<16xf32>,
      %mul3A_123 = arith.mulf %get3A_122, %add3A_113 : vector<16xf32>
      %add3A_124 = arith.addf %mul3A_118, %mul3A_123 : vector<16xf32>
      %reduce_sum3A = arith.constant true
      %reduce_sum3A_125 = vector.broadcast %reduce_sum3A : i1 to vector<16xi1>
      %reduce_sum3A_126 = tpu.scan <sum>, %add3A_124 masked %reduce_sum3A_125 : vector<16xf32>, vector<16xi1> -> vector<16xf32>
      %reduce_sum3A_127 = vector.extract %reduce_sum3A_126[15] : f32 from vector<16xf32>
      %get3A_128 = arith.constant 1 : i32
      %get3A_129 = arith.index_cast %get3A_128 : i32 to index
      %get3A_130 = arith.constant 0 : index
      %get3A_131 = tpu.vector_load %arg8[%get3A_129, %get3A_130] {strides = array<i32>} : memref<8x32xf32, #tpu.memory_space<vmem>>, vector<16xf32>,
      %mul3A_132 = arith.mulf %get3A_131, %add3A_108 : vector<16xf32>
      %get3A_133 = arith.constant 1 : i32
      %get3A_134 = arith.index_cast %get3A_133 : i32 to index
      %get3A_135 = arith.constant 16 : index
      %get3A_136 = tpu.vector_load %arg8[%get3A_134, %get3A_135] {strides = array<i32>} : memref<8x32xf32, #tpu.memory_space<vmem>>, vector<16xf32>,
      %mul3A_137 = arith.mulf %get3A_136, %add3A_113 : vector<16xf32>
      %add3A_138 = arith.addf %mul3A_132, %mul3A_137 : vector<16xf32>
      %reduce_sum3A_139 = arith.constant true
      %reduce_sum3A_140 = vector.broadcast %reduce_sum3A_139 : i1 to vector<16xi1>
      %reduce_sum3A_141 = tpu.scan <sum>, %add3A_138 masked %reduce_sum3A_140 : vector<16xf32>, vector<16xi1> -> vector<16xf32>
      %reduce_sum3A_142 = vector.extract %reduce_sum3A_141[15] : f32 from vector<16xf32>
      %gt3A = arith.cmpf ogt, %reduce_sum3A_142, %reduce_sum3A_127 : f32
      %jit3A = arith.constant 1 : i32
      %jit3A_143 = arith.constant 0 : i32
      %select_n3A = arith.select %gt3A, %jit3A, %jit3A_143 : i32
      %select_n3A_144 = arith.select %gt3A, %reduce_sum3A_142, %reduce_sum3A_127 : f32
      %get3A_145 = arith.constant 2 : i32
      %get3A_146 = arith.index_cast %get3A_145 : i32 to index
      %get3A_147 = arith.constant 0 : index
      %get3A_148 = tpu.vector_load %arg8[%get3A_146, %get3A_147] {strides = array<i32>} : memref<8x32xf32, #tpu.memory_space<vmem>>, vector<16xf32>,
      %mul3A_149 = arith.mulf %get3A_148, %add3A_108 : vector<16xf32>
      %get3A_150 = arith.constant 2 : i32
      %get3A_151 = arith.index_cast %get3A_150 : i32 to index
      %get3A_152 = arith.constant 16 : index
      %get3A_153 = tpu.vector_load %arg8[%get3A_151, %get3A_152] {strides = array<i32>} : memref<8x32xf32, #tpu.memory_space<vmem>>, vector<16xf32>,
      %mul3A_154 = arith.mulf %get3A_153, %add3A_113 : vector<16xf32>
      %add3A_155 = arith.addf %mul3A_149, %mul3A_154 : vector<16xf32>
      %reduce_sum3A_156 = arith.constant true
      %reduce_sum3A_157 = vector.broadcast %reduce_sum3A_156 : i1 to vector<16xi1>
      %reduce_sum3A_158 = tpu.scan <sum>, %add3A_155 masked %reduce_sum3A_157 : vector<16xf32>, vector<16xi1> -> vector<16xf32>
      %reduce_sum3A_159 = vector.extract %reduce_sum3A_158[15] : f32 from vector<16xf32>
      %gt3A_160 = arith.cmpf ogt, %reduce_sum3A_159, %select_n3A_144 : f32
      %jit3A_161 = arith.constant 2 : i32
      %select_n3A_162 = arith.select %gt3A_160, %jit3A_161, %select_n3A : i32
      %select_n3A_163 = arith.select %gt3A_160, %reduce_sum3A_159, %select_n3A_144 : f32
      %get3A_164 = arith.constant 3 : i32
      %get3A_165 = arith.index_cast %get3A_164 : i32 to index
      %get3A_166 = arith.constant 0 : index
      %get3A_167 = tpu.vector_load %arg8[%get3A_165, %get3A_166] {strides = array<i32>} : memref<8x32xf32, #tpu.memory_space<vmem>>, vector<16xf32>,
      %mul3A_168 = arith.mulf %get3A_167, %add3A_108 : vector<16xf32>
      %get3A_169 = arith.constant 3 : i32
      %get3A_170 = arith.index_cast %get3A_169 : i32 to index
      %get3A_171 = arith.constant 16 : index
      %get3A_172 = tpu.vector_load %arg8[%get3A_170, %get3A_171] {strides = array<i32>} : memref<8x32xf32, #tpu.memory_space<vmem>>, vector<16xf32>,
      %mul3A_173 = arith.mulf %get3A_172, %add3A_113 : vector<16xf32>
      %add3A_174 = arith.addf %mul3A_168, %mul3A_173 : vector<16xf32>
      %reduce_sum3A_175 = arith.constant true
      %reduce_sum3A_176 = vector.broadcast %reduce_sum3A_175 : i1 to vector<16xi1>
      %reduce_sum3A_177 = tpu.scan <sum>, %add3A_174 masked %reduce_sum3A_176 : vector<16xf32>, vector<16xi1> -> vector<16xf32>
      %reduce_sum3A_178 = vector.extract %reduce_sum3A_177[15] : f32 from vector<16xf32>
      %gt3A_179 = arith.cmpf ogt, %reduce_sum3A_178, %select_n3A_163 : f32
      %jit3A_180 = arith.constant 3 : i32
      %select_n3A_181 = arith.select %gt3A_179, %jit3A_180, %select_n3A_162 : i32
      %select_n3A_182 = arith.select %gt3A_179, %reduce_sum3A_178, %select_n3A_163 : f32
      %get3A_183 = arith.constant 4 : i32
      %get3A_184 = arith.index_cast %get3A_183 : i32 to index
      %get3A_185 = arith.constant 0 : index
      %get3A_186 = tpu.vector_load %arg8[%get3A_184, %get3A_185] {strides = array<i32>} : memref<8x32xf32, #tpu.memory_space<vmem>>, vector<16xf32>,
      %mul3A_187 = arith.mulf %get3A_186, %add3A_108 : vector<16xf32>
      %get3A_188 = arith.constant 4 : i32
      %get3A_189 = arith.index_cast %get3A_188 : i32 to index
      %get3A_190 = arith.constant 16 : index
      %get3A_191 = tpu.vector_load %arg8[%get3A_189, %get3A_190] {strides = array<i32>} : memref<8x32xf32, #tpu.memory_space<vmem>>, vector<16xf32>,
      %mul3A_192 = arith.mulf %get3A_191, %add3A_113 : vector<16xf32>
      %add3A_193 = arith.addf %mul3A_187, %mul3A_192 : vector<16xf32>
      %reduce_sum3A_194 = arith.constant true
      %reduce_sum3A_195 = vector.broadcast %reduce_sum3A_194 : i1 to vector<16xi1>
      %reduce_sum3A_196 = tpu.scan <sum>, %add3A_193 masked %reduce_sum3A_195 : vector<16xf32>, vector<16xi1> -> vector<16xf32>
      %reduce_sum3A_197 = vector.extract %reduce_sum3A_196[15] : f32 from vector<16xf32>
      %gt3A_198 = arith.cmpf ogt, %reduce_sum3A_197, %select_n3A_182 : f32
      %jit3A_199 = arith.constant 4 : i32
      %select_n3A_200 = arith.select %gt3A_198, %jit3A_199, %select_n3A_181 : i32
      %select_n3A_201 = arith.select %gt3A_198, %reduce_sum3A_197, %select_n3A_182 : f32
      %get3A_202 = arith.constant 5 : i32
      %get3A_203 = arith.index_cast %get3A_202 : i32 to index
      %get3A_204 = arith.constant 0 : index
      %get3A_205 = tpu.vector_load %arg8[%get3A_203, %get3A_204] {strides = array<i32>} : memref<8x32xf32, #tpu.memory_space<vmem>>, vector<16xf32>,
      %mul3A_206 = arith.mulf %get3A_205, %add3A_108 : vector<16xf32>
      %get3A_207 = arith.constant 5 : i32
      %get3A_208 = arith.index_cast %get3A_207 : i32 to index
      %get3A_209 = arith.constant 16 : index
      %get3A_210 = tpu.vector_load %arg8[%get3A_208, %get3A_209] {strides = array<i32>} : memref<8x32xf32, #tpu.memory_space<vmem>>, vector<16xf32>,
      %mul3A_211 = arith.mulf %get3A_210, %add3A_113 : vector<16xf32>
      %add3A_212 = arith.addf %mul3A_206, %mul3A_211 : vector<16xf32>
      %reduce_sum3A_213 = arith.constant true
      %reduce_sum3A_214 = vector.broadcast %reduce_sum3A_213 : i1 to vector<16xi1>
      %reduce_sum3A_215 = tpu.scan <sum>, %add3A_212 masked %reduce_sum3A_214 : vector<16xf32>, vector<16xi1> -> vector<16xf32>
      %reduce_sum3A_216 = vector.extract %reduce_sum3A_215[15] : f32 from vector<16xf32>
      %gt3A_217 = arith.cmpf ogt, %reduce_sum3A_216, %select_n3A_201 : f32
      %jit3A_218 = arith.constant 5 : i32
      %select_n3A_219 = arith.select %gt3A_217, %jit3A_218, %select_n3A_200 : i32
      %select_n3A_220 = arith.select %gt3A_217, %reduce_sum3A_216, %select_n3A_201 : f32
      %get3A_221 = arith.constant 6 : i32
      %get3A_222 = arith.index_cast %get3A_221 : i32 to index
      %get3A_223 = arith.constant 0 : index
      %get3A_224 = tpu.vector_load %arg8[%get3A_222, %get3A_223] {strides = array<i32>} : memref<8x32xf32, #tpu.memory_space<vmem>>, vector<16xf32>,
      %mul3A_225 = arith.mulf %get3A_224, %add3A_108 : vector<16xf32>
      %get3A_226 = arith.constant 6 : i32
      %get3A_227 = arith.index_cast %get3A_226 : i32 to index
      %get3A_228 = arith.constant 16 : index
      %get3A_229 = tpu.vector_load %arg8[%get3A_227, %get3A_228] {strides = array<i32>} : memref<8x32xf32, #tpu.memory_space<vmem>>, vector<16xf32>,
      %mul3A_230 = arith.mulf %get3A_229, %add3A_113 : vector<16xf32>
      %add3A_231 = arith.addf %mul3A_225, %mul3A_230 : vector<16xf32>
      %reduce_sum3A_232 = arith.constant true
      %reduce_sum3A_233 = vector.broadcast %reduce_sum3A_232 : i1 to vector<16xi1>
      %reduce_sum3A_234 = tpu.scan <sum>, %add3A_231 masked %reduce_sum3A_233 : vector<16xf32>, vector<16xi1> -> vector<16xf32>
      %reduce_sum3A_235 = vector.extract %reduce_sum3A_234[15] : f32 from vector<16xf32>
      %gt3A_236 = arith.cmpf ogt, %reduce_sum3A_235, %select_n3A_220 : f32
      %jit3A_237 = arith.constant 6 : i32
      %select_n3A_238 = arith.select %gt3A_236, %jit3A_237, %select_n3A_219 : i32
      %select_n3A_239 = arith.select %gt3A_236, %reduce_sum3A_235, %select_n3A_220 : f32
      %get3A_240 = arith.constant 7 : i32
      %get3A_241 = arith.index_cast %get3A_240 : i32 to index
      %get3A_242 = arith.constant 0 : index
      %get3A_243 = tpu.vector_load %arg8[%get3A_241, %get3A_242] {strides = array<i32>} : memref<8x32xf32, #tpu.memory_space<vmem>>, vector<16xf32>,
      %mul3A_244 = arith.mulf %get3A_243, %add3A_108 : vector<16xf32>
      %get3A_245 = arith.constant 7 : i32
      %get3A_246 = arith.index_cast %get3A_245 : i32 to index
      %get3A_247 = arith.constant 16 : index
      %get3A_248 = tpu.vector_load %arg8[%get3A_246, %get3A_247] {strides = array<i32>} : memref<8x32xf32, #tpu.memory_space<vmem>>, vector<16xf32>,
      %mul3A_249 = arith.mulf %get3A_248, %add3A_113 : vector<16xf32>
      %add3A_250 = arith.addf %mul3A_244, %mul3A_249 : vector<16xf32>
      %reduce_sum3A_251 = arith.constant true
      %reduce_sum3A_252 = vector.broadcast %reduce_sum3A_251 : i1 to vector<16xi1>
      %reduce_sum3A_253 = tpu.scan <sum>, %add3A_250 masked %reduce_sum3A_252 : vector<16xf32>, vector<16xi1> -> vector<16xf32>
      %reduce_sum3A_254 = vector.extract %reduce_sum3A_253[15] : f32 from vector<16xf32>
      %gt3A_255 = arith.cmpf ogt, %reduce_sum3A_254, %select_n3A_239 : f32
      %jit3A_256 = arith.constant 7 : i32
      %select_n3A_257 = arith.select %gt3A_255, %jit3A_256, %select_n3A_238 : i32
      %select_n3A_258 = arith.select %gt3A_255, %reduce_sum3A_254, %select_n3A_239 : f32
      %broadcast_in_dim3A_259 = vector.broadcast %select_n3A_257 : i32 to vector<16xi32>
      %swap3A = arith.constant 0 : index
      %swap3A_260 = tpu.vector_load %arg9[%swap3A] {strides = array<i32>} : memref<16xi32, #tpu.memory_space<vmem>>, vector<16xi32>,
      tpu.vector_store %arg9[%swap3A], %broadcast_in_dim3A_259 {strides = array<i32>} : memref<16xi32, #tpu.memory_space<vmem>>, vector<16xi32>,
      "tpu.region"() ({
        %run_scoped3A = tpu.sem_alloc : memref<!tpu.dma_semaphore, #tpu.memory_space<semaphore_mem>>
        tpu.enqueue_dma source(%arg9 : memref<16xi32, #tpu.memory_space<vmem>>) target(%arg5 : memref<16xi32, #tpu.memory_space<hbm>>) target_semaphore(%run_scoped3A : memref<!tpu.dma_semaphore, #tpu.memory_space<semaphore_mem>>)
        tpu.wait_dma2 semaphore(%run_scoped3A : memref<!tpu.dma_semaphore, #tpu.memory_space<semaphore_mem>>) src(%arg9 : memref<16xi32, #tpu.memory_space<vmem>>) dst(%arg5 : memref<16xi32, #tpu.memory_space<hbm>>)
        tpu.yield
      }) : () -> ()
    } else {
    }
    return
  }
}

#map = affine_map<(d0, d1) -> (0, 0)>
#map1 = affine_map<(d0, d1) -> (0)>
module attributes {stable_mosaic.version = 14 : i64} {
  func.func @_main_body(%arg0: i32, %arg1: i32, %arg2: memref<12x16384xi32, #tpu.memory_space<hbm>>, %arg3: memref<100000x32xf32, #tpu.memory_space<hbm>>, %arg4: memref<100000x32xf32, #tpu.memory_space<hbm>>, %arg5: memref<16384xf32, #tpu.memory_space<hbm>>, %arg6: memref<4x128xi32, #tpu.memory_space<vmem>>, %arg7: memref<4x128xi32, #tpu.memory_space<vmem>>, %arg8: memref<512x32xf32, #tpu.memory_space<vmem>>, %arg9: memref<512x32xf32, #tpu.memory_space<vmem>>, %arg10: memref<512xf32, #tpu.memory_space<vmem>>, %arg11: memref<!tpu.dma_semaphore, #tpu.memory_space<semaphore_mem>>, %arg12: memref<!tpu.dma_semaphore, #tpu.memory_space<semaphore_mem>>) attributes {dimension_semantics = [#tpu.dimension_semantics<core_parallel>, #tpu.dimension_semantics<subcore_parallel>], iteration_bounds = array<i64: 2, 16>, scalar_prefetch = 0 : i64, scratch_operands = 7 : i64, tpu.core_type = #tpu.core_type<sc_vector_subcore>, window_params = [{transform_indices = #map}, {transform_indices = #map}, {transform_indices = #map}, {transform_indices = #map1}]} {
    %mul3A = arith.constant 2 : i32
    %mul3A_0 = arith.muli %arg1, %mul3A : i32
    %add3A = arith.addi %mul3A_0, %arg0 : i32
    %mul3A_1 = arith.constant 512 : i32
    %mul3A_2 = arith.muli %add3A, %mul3A_1 : i32
    %add3A_3 = arith.constant 0 : i32
    %add3A_4 = arith.addi %mul3A_2, %add3A_3 : i32
    %dma_start3A = arith.constant 0 : i32
    %dma_start3A_5 = arith.constant 0 : i32
    %dma_start3A_6 = arith.constant 0 : i32
    %dma_start3A_7 = tpu.memref_slice %arg6[%dma_start3A_5, %dma_start3A_6] : memref<4x128xi32, #tpu.memory_space<vmem>> -> memref<1x128xi32, #tpu.memory_space<vmem>>
    %dma_start3A_8 = tpu.memref_squeeze %dma_start3A_7 : memref<1x128xi32, #tpu.memory_space<vmem>> -> memref<128xi32, #tpu.memory_space<vmem>>
    %dma_start3A_9 = tpu.memref_slice %arg2[%dma_start3A, %add3A_4] : memref<12x16384xi32, #tpu.memory_space<hbm>> -> memref<1x128xi32, #tpu.memory_space<hbm>>
    %dma_start3A_10 = tpu.memref_squeeze %dma_start3A_9 : memref<1x128xi32, #tpu.memory_space<hbm>> -> memref<128xi32, #tpu.memory_space<hbm>>
    %dma_start3A_11 = arith.constant 0 : i32
    %dma_start3A_12 = tpu.memref_slice %arg6[%dma_start3A_5, %dma_start3A_11] : memref<4x128xi32, #tpu.memory_space<vmem>> -> memref<1x128xi32, #tpu.memory_space<vmem>>
    %dma_start3A_13 = tpu.memref_squeeze %dma_start3A_12 : memref<1x128xi32, #tpu.memory_space<vmem>> -> memref<128xi32, #tpu.memory_space<vmem>>
    %dma_start3A_14 = tpu.memref_slice %arg2[%dma_start3A, %add3A_4] : memref<12x16384xi32, #tpu.memory_space<hbm>> -> memref<1x128xi32, #tpu.memory_space<hbm>>
    %dma_start3A_15 = tpu.memref_squeeze %dma_start3A_14 : memref<1x128xi32, #tpu.memory_space<hbm>> -> memref<128xi32, #tpu.memory_space<hbm>>
    tpu.enqueue_dma source(%dma_start3A_15 : memref<128xi32, #tpu.memory_space<hbm>>) target(%dma_start3A_13 : memref<128xi32, #tpu.memory_space<vmem>>) target_semaphore(%arg11 : memref<!tpu.dma_semaphore, #tpu.memory_space<semaphore_mem>>)
    %add3A_16 = arith.constant 0 : i32
    %add3A_17 = arith.addi %mul3A_2, %add3A_16 : i32
    %dma_start3A_18 = arith.constant 1 : i32
    %dma_start3A_19 = arith.constant 0 : i32
    %dma_start3A_20 = arith.constant 0 : i32
    %dma_start3A_21 = tpu.memref_slice %arg7[%dma_start3A_19, %dma_start3A_20] : memref<4x128xi32, #tpu.memory_space<vmem>> -> memref<1x128xi32, #tpu.memory_space<vmem>>
    %dma_start3A_22 = tpu.memref_squeeze %dma_start3A_21 : memref<1x128xi32, #tpu.memory_space<vmem>> -> memref<128xi32, #tpu.memory_space<vmem>>
    %dma_start3A_23 = tpu.memref_slice %arg2[%dma_start3A_18, %add3A_17] : memref<12x16384xi32, #tpu.memory_space<hbm>> -> memref<1x128xi32, #tpu.memory_space<hbm>>
    %dma_start3A_24 = tpu.memref_squeeze %dma_start3A_23 : memref<1x128xi32, #tpu.memory_space<hbm>> -> memref<128xi32, #tpu.memory_space<hbm>>
    %dma_start3A_25 = arith.constant 0 : i32
    %dma_start3A_26 = tpu.memref_slice %arg7[%dma_start3A_19, %dma_start3A_25] : memref<4x128xi32, #tpu.memory_space<vmem>> -> memref<1x128xi32, #tpu.memory_space<vmem>>
    %dma_start3A_27 = tpu.memref_squeeze %dma_start3A_26 : memref<1x128xi32, #tpu.memory_space<vmem>> -> memref<128xi32, #tpu.memory_space<vmem>>
    %dma_start3A_28 = tpu.memref_slice %arg2[%dma_start3A_18, %add3A_17] : memref<12x16384xi32, #tpu.memory_space<hbm>> -> memref<1x128xi32, #tpu.memory_space<hbm>>
    %dma_start3A_29 = tpu.memref_squeeze %dma_start3A_28 : memref<1x128xi32, #tpu.memory_space<hbm>> -> memref<128xi32, #tpu.memory_space<hbm>>
    tpu.enqueue_dma source(%dma_start3A_29 : memref<128xi32, #tpu.memory_space<hbm>>) target(%dma_start3A_27 : memref<128xi32, #tpu.memory_space<vmem>>) target_semaphore(%arg11 : memref<!tpu.dma_semaphore, #tpu.memory_space<semaphore_mem>>)
    %add3A_30 = arith.constant 128 : i32
    %add3A_31 = arith.addi %mul3A_2, %add3A_30 : i32
    %dma_start3A_32 = arith.constant 0 : i32
    %dma_start3A_33 = arith.constant 1 : i32
    %dma_start3A_34 = arith.constant 0 : i32
    %dma_start3A_35 = tpu.memref_slice %arg6[%dma_start3A_33, %dma_start3A_34] : memref<4x128xi32, #tpu.memory_space<vmem>> -> memref<1x128xi32, #tpu.memory_space<vmem>>
    %dma_start3A_36 = tpu.memref_squeeze %dma_start3A_35 : memref<1x128xi32, #tpu.memory_space<vmem>> -> memref<128xi32, #tpu.memory_space<vmem>>
    %dma_start3A_37 = tpu.memref_slice %arg2[%dma_start3A_32, %add3A_31] : memref<12x16384xi32, #tpu.memory_space<hbm>> -> memref<1x128xi32, #tpu.memory_space<hbm>>
    %dma_start3A_38 = tpu.memref_squeeze %dma_start3A_37 : memref<1x128xi32, #tpu.memory_space<hbm>> -> memref<128xi32, #tpu.memory_space<hbm>>
    %dma_start3A_39 = arith.constant 0 : i32
    %dma_start3A_40 = tpu.memref_slice %arg6[%dma_start3A_33, %dma_start3A_39] : memref<4x128xi32, #tpu.memory_space<vmem>> -> memref<1x128xi32, #tpu.memory_space<vmem>>
    %dma_start3A_41 = tpu.memref_squeeze %dma_start3A_40 : memref<1x128xi32, #tpu.memory_space<vmem>> -> memref<128xi32, #tpu.memory_space<vmem>>
    %dma_start3A_42 = tpu.memref_slice %arg2[%dma_start3A_32, %add3A_31] : memref<12x16384xi32, #tpu.memory_space<hbm>> -> memref<1x128xi32, #tpu.memory_space<hbm>>
    %dma_start3A_43 = tpu.memref_squeeze %dma_start3A_42 : memref<1x128xi32, #tpu.memory_space<hbm>> -> memref<128xi32, #tpu.memory_space<hbm>>
    tpu.enqueue_dma source(%dma_start3A_43 : memref<128xi32, #tpu.memory_space<hbm>>) target(%dma_start3A_41 : memref<128xi32, #tpu.memory_space<vmem>>) target_semaphore(%arg11 : memref<!tpu.dma_semaphore, #tpu.memory_space<semaphore_mem>>)
    %add3A_44 = arith.constant 128 : i32
    %add3A_45 = arith.addi %mul3A_2, %add3A_44 : i32
    %dma_start3A_46 = arith.constant 1 : i32
    %dma_start3A_47 = arith.constant 1 : i32
    %dma_start3A_48 = arith.constant 0 : i32
    %dma_start3A_49 = tpu.memref_slice %arg7[%dma_start3A_47, %dma_start3A_48] : memref<4x128xi32, #tpu.memory_space<vmem>> -> memref<1x128xi32, #tpu.memory_space<vmem>>
    %dma_start3A_50 = tpu.memref_squeeze %dma_start3A_49 : memref<1x128xi32, #tpu.memory_space<vmem>> -> memref<128xi32, #tpu.memory_space<vmem>>
    %dma_start3A_51 = tpu.memref_slice %arg2[%dma_start3A_46, %add3A_45] : memref<12x16384xi32, #tpu.memory_space<hbm>> -> memref<1x128xi32, #tpu.memory_space<hbm>>
    %dma_start3A_52 = tpu.memref_squeeze %dma_start3A_51 : memref<1x128xi32, #tpu.memory_space<hbm>> -> memref<128xi32, #tpu.memory_space<hbm>>
    %dma_start3A_53 = arith.constant 0 : i32
    %dma_start3A_54 = tpu.memref_slice %arg7[%dma_start3A_47, %dma_start3A_53] : memref<4x128xi32, #tpu.memory_space<vmem>> -> memref<1x128xi32, #tpu.memory_space<vmem>>
    %dma_start3A_55 = tpu.memref_squeeze %dma_start3A_54 : memref<1x128xi32, #tpu.memory_space<vmem>> -> memref<128xi32, #tpu.memory_space<vmem>>
    %dma_start3A_56 = tpu.memref_slice %arg2[%dma_start3A_46, %add3A_45] : memref<12x16384xi32, #tpu.memory_space<hbm>> -> memref<1x128xi32, #tpu.memory_space<hbm>>
    %dma_start3A_57 = tpu.memref_squeeze %dma_start3A_56 : memref<1x128xi32, #tpu.memory_space<hbm>> -> memref<128xi32, #tpu.memory_space<hbm>>
    tpu.enqueue_dma source(%dma_start3A_57 : memref<128xi32, #tpu.memory_space<hbm>>) target(%dma_start3A_55 : memref<128xi32, #tpu.memory_space<vmem>>) target_semaphore(%arg11 : memref<!tpu.dma_semaphore, #tpu.memory_space<semaphore_mem>>)
    %add3A_58 = arith.constant 256 : i32
    %add3A_59 = arith.addi %mul3A_2, %add3A_58 : i32
    %dma_start3A_60 = arith.constant 0 : i32
    %dma_start3A_61 = arith.constant 2 : i32
    %dma_start3A_62 = arith.constant 0 : i32
    %dma_start3A_63 = tpu.memref_slice %arg6[%dma_start3A_61, %dma_start3A_62] : memref<4x128xi32, #tpu.memory_space<vmem>> -> memref<1x128xi32, #tpu.memory_space<vmem>>
    %dma_start3A_64 = tpu.memref_squeeze %dma_start3A_63 : memref<1x128xi32, #tpu.memory_space<vmem>> -> memref<128xi32, #tpu.memory_space<vmem>>
    %dma_start3A_65 = tpu.memref_slice %arg2[%dma_start3A_60, %add3A_59] : memref<12x16384xi32, #tpu.memory_space<hbm>> -> memref<1x128xi32, #tpu.memory_space<hbm>>
    %dma_start3A_66 = tpu.memref_squeeze %dma_start3A_65 : memref<1x128xi32, #tpu.memory_space<hbm>> -> memref<128xi32, #tpu.memory_space<hbm>>
    %dma_start3A_67 = arith.constant 0 : i32
    %dma_start3A_68 = tpu.memref_slice %arg6[%dma_start3A_61, %dma_start3A_67] : memref<4x128xi32, #tpu.memory_space<vmem>> -> memref<1x128xi32, #tpu.memory_space<vmem>>
    %dma_start3A_69 = tpu.memref_squeeze %dma_start3A_68 : memref<1x128xi32, #tpu.memory_space<vmem>> -> memref<128xi32, #tpu.memory_space<vmem>>
    %dma_start3A_70 = tpu.memref_slice %arg2[%dma_start3A_60, %add3A_59] : memref<12x16384xi32, #tpu.memory_space<hbm>> -> memref<1x128xi32, #tpu.memory_space<hbm>>
    %dma_start3A_71 = tpu.memref_squeeze %dma_start3A_70 : memref<1x128xi32, #tpu.memory_space<hbm>> -> memref<128xi32, #tpu.memory_space<hbm>>
    tpu.enqueue_dma source(%dma_start3A_71 : memref<128xi32, #tpu.memory_space<hbm>>) target(%dma_start3A_69 : memref<128xi32, #tpu.memory_space<vmem>>) target_semaphore(%arg11 : memref<!tpu.dma_semaphore, #tpu.memory_space<semaphore_mem>>)
    %add3A_72 = arith.constant 256 : i32
    %add3A_73 = arith.addi %mul3A_2, %add3A_72 : i32
    %dma_start3A_74 = arith.constant 1 : i32
    %dma_start3A_75 = arith.constant 2 : i32
    %dma_start3A_76 = arith.constant 0 : i32
    %dma_start3A_77 = tpu.memref_slice %arg7[%dma_start3A_75, %dma_start3A_76] : memref<4x128xi32, #tpu.memory_space<vmem>> -> memref<1x128xi32, #tpu.memory_space<vmem>>
    %dma_start3A_78 = tpu.memref_squeeze %dma_start3A_77 : memref<1x128xi32, #tpu.memory_space<vmem>> -> memref<128xi32, #tpu.memory_space<vmem>>
    %dma_start3A_79 = tpu.memref_slice %arg2[%dma_start3A_74, %add3A_73] : memref<12x16384xi32, #tpu.memory_space<hbm>> -> memref<1x128xi32, #tpu.memory_space<hbm>>
    %dma_start3A_80 = tpu.memref_squeeze %dma_start3A_79 : memref<1x128xi32, #tpu.memory_space<hbm>> -> memref<128xi32, #tpu.memory_space<hbm>>
    %dma_start3A_81 = arith.constant 0 : i32
    %dma_start3A_82 = tpu.memref_slice %arg7[%dma_start3A_75, %dma_start3A_81] : memref<4x128xi32, #tpu.memory_space<vmem>> -> memref<1x128xi32, #tpu.memory_space<vmem>>
    %dma_start3A_83 = tpu.memref_squeeze %dma_start3A_82 : memref<1x128xi32, #tpu.memory_space<vmem>> -> memref<128xi32, #tpu.memory_space<vmem>>
    %dma_start3A_84 = tpu.memref_slice %arg2[%dma_start3A_74, %add3A_73] : memref<12x16384xi32, #tpu.memory_space<hbm>> -> memref<1x128xi32, #tpu.memory_space<hbm>>
    %dma_start3A_85 = tpu.memref_squeeze %dma_start3A_84 : memref<1x128xi32, #tpu.memory_space<hbm>> -> memref<128xi32, #tpu.memory_space<hbm>>
    tpu.enqueue_dma source(%dma_start3A_85 : memref<128xi32, #tpu.memory_space<hbm>>) target(%dma_start3A_83 : memref<128xi32, #tpu.memory_space<vmem>>) target_semaphore(%arg11 : memref<!tpu.dma_semaphore, #tpu.memory_space<semaphore_mem>>)
    %add3A_86 = arith.constant 384 : i32
    %add3A_87 = arith.addi %mul3A_2, %add3A_86 : i32
    %dma_start3A_88 = arith.constant 0 : i32
    %dma_start3A_89 = arith.constant 3 : i32
    %dma_start3A_90 = arith.constant 0 : i32
    %dma_start3A_91 = tpu.memref_slice %arg6[%dma_start3A_89, %dma_start3A_90] : memref<4x128xi32, #tpu.memory_space<vmem>> -> memref<1x128xi32, #tpu.memory_space<vmem>>
    %dma_start3A_92 = tpu.memref_squeeze %dma_start3A_91 : memref<1x128xi32, #tpu.memory_space<vmem>> -> memref<128xi32, #tpu.memory_space<vmem>>
    %dma_start3A_93 = tpu.memref_slice %arg2[%dma_start3A_88, %add3A_87] : memref<12x16384xi32, #tpu.memory_space<hbm>> -> memref<1x128xi32, #tpu.memory_space<hbm>>
    %dma_start3A_94 = tpu.memref_squeeze %dma_start3A_93 : memref<1x128xi32, #tpu.memory_space<hbm>> -> memref<128xi32, #tpu.memory_space<hbm>>
    %dma_start3A_95 = arith.constant 0 : i32
    %dma_start3A_96 = tpu.memref_slice %arg6[%dma_start3A_89, %dma_start3A_95] : memref<4x128xi32, #tpu.memory_space<vmem>> -> memref<1x128xi32, #tpu.memory_space<vmem>>
    %dma_start3A_97 = tpu.memref_squeeze %dma_start3A_96 : memref<1x128xi32, #tpu.memory_space<vmem>> -> memref<128xi32, #tpu.memory_space<vmem>>
    %dma_start3A_98 = tpu.memref_slice %arg2[%dma_start3A_88, %add3A_87] : memref<12x16384xi32, #tpu.memory_space<hbm>> -> memref<1x128xi32, #tpu.memory_space<hbm>>
    %dma_start3A_99 = tpu.memref_squeeze %dma_start3A_98 : memref<1x128xi32, #tpu.memory_space<hbm>> -> memref<128xi32, #tpu.memory_space<hbm>>
    tpu.enqueue_dma source(%dma_start3A_99 : memref<128xi32, #tpu.memory_space<hbm>>) target(%dma_start3A_97 : memref<128xi32, #tpu.memory_space<vmem>>) target_semaphore(%arg11 : memref<!tpu.dma_semaphore, #tpu.memory_space<semaphore_mem>>)
    %add3A_100 = arith.constant 384 : i32
    %add3A_101 = arith.addi %mul3A_2, %add3A_100 : i32
    %dma_start3A_102 = arith.constant 1 : i32
    %dma_start3A_103 = arith.constant 3 : i32
    %dma_start3A_104 = arith.constant 0 : i32
    %dma_start3A_105 = tpu.memref_slice %arg7[%dma_start3A_103, %dma_start3A_104] : memref<4x128xi32, #tpu.memory_space<vmem>> -> memref<1x128xi32, #tpu.memory_space<vmem>>
    %dma_start3A_106 = tpu.memref_squeeze %dma_start3A_105 : memref<1x128xi32, #tpu.memory_space<vmem>> -> memref<128xi32, #tpu.memory_space<vmem>>
    %dma_start3A_107 = tpu.memref_slice %arg2[%dma_start3A_102, %add3A_101] : memref<12x16384xi32, #tpu.memory_space<hbm>> -> memref<1x128xi32, #tpu.memory_space<hbm>>
    %dma_start3A_108 = tpu.memref_squeeze %dma_start3A_107 : memref<1x128xi32, #tpu.memory_space<hbm>> -> memref<128xi32, #tpu.memory_space<hbm>>
    %dma_start3A_109 = arith.constant 0 : i32
    %dma_start3A_110 = tpu.memref_slice %arg7[%dma_start3A_103, %dma_start3A_109] : memref<4x128xi32, #tpu.memory_space<vmem>> -> memref<1x128xi32, #tpu.memory_space<vmem>>
    %dma_start3A_111 = tpu.memref_squeeze %dma_start3A_110 : memref<1x128xi32, #tpu.memory_space<vmem>> -> memref<128xi32, #tpu.memory_space<vmem>>
    %dma_start3A_112 = tpu.memref_slice %arg2[%dma_start3A_102, %add3A_101] : memref<12x16384xi32, #tpu.memory_space<hbm>> -> memref<1x128xi32, #tpu.memory_space<hbm>>
    %dma_start3A_113 = tpu.memref_squeeze %dma_start3A_112 : memref<1x128xi32, #tpu.memory_space<hbm>> -> memref<128xi32, #tpu.memory_space<hbm>>
    tpu.enqueue_dma source(%dma_start3A_113 : memref<128xi32, #tpu.memory_space<hbm>>) target(%dma_start3A_111 : memref<128xi32, #tpu.memory_space<vmem>>) target_semaphore(%arg11 : memref<!tpu.dma_semaphore, #tpu.memory_space<semaphore_mem>>)
    %dma_wait3A = arith.constant 0 : i32
    %dma_wait3A_114 = arith.constant 0 : i32
    %dma_wait3A_115 = arith.constant 0 : i32
    %dma_wait3A_116 = tpu.memref_slice %arg6[%dma_wait3A_114, %dma_wait3A_115] : memref<4x128xi32, #tpu.memory_space<vmem>> -> memref<1x128xi32, #tpu.memory_space<vmem>>
    %dma_wait3A_117 = tpu.memref_squeeze %dma_wait3A_116 : memref<1x128xi32, #tpu.memory_space<vmem>> -> memref<128xi32, #tpu.memory_space<vmem>>
    %dma_wait3A_118 = tpu.memref_slice %arg2[%dma_wait3A, %add3A_4] : memref<12x16384xi32, #tpu.memory_space<hbm>> -> memref<1x128xi32, #tpu.memory_space<hbm>>
    %dma_wait3A_119 = tpu.memref_squeeze %dma_wait3A_118 : memref<1x128xi32, #tpu.memory_space<hbm>> -> memref<128xi32, #tpu.memory_space<hbm>>
    %dma_wait3A_120 = arith.constant 0 : i32
    %dma_wait3A_121 = tpu.memref_slice %arg6[%dma_wait3A_114, %dma_wait3A_120] : memref<4x128xi32, #tpu.memory_space<vmem>> -> memref<1x128xi32, #tpu.memory_space<vmem>>
    %dma_wait3A_122 = tpu.memref_squeeze %dma_wait3A_121 : memref<1x128xi32, #tpu.memory_space<vmem>> -> memref<128xi32, #tpu.memory_space<vmem>>
    %dma_wait3A_123 = tpu.memref_slice %arg2[%dma_wait3A, %add3A_4] : memref<12x16384xi32, #tpu.memory_space<hbm>> -> memref<1x128xi32, #tpu.memory_space<hbm>>
    %dma_wait3A_124 = tpu.memref_squeeze %dma_wait3A_123 : memref<1x128xi32, #tpu.memory_space<hbm>> -> memref<128xi32, #tpu.memory_space<hbm>>
    tpu.wait_dma2 semaphore(%arg11 : memref<!tpu.dma_semaphore, #tpu.memory_space<semaphore_mem>>) src(%dma_wait3A_124 : memref<128xi32, #tpu.memory_space<hbm>>) dst(%dma_wait3A_122 : memref<128xi32, #tpu.memory_space<vmem>>)
    %dma_start3A_125 = arith.constant 0 : i32
    %dma_start3A_126 = arith.constant 0 : i32
    %dma_start3A_127 = arith.constant 0 : i32
    %dma_start3A_128 = tpu.memref_slice %arg8[%dma_start3A_126, %dma_start3A_127] : memref<512x32xf32, #tpu.memory_space<vmem>> -> memref<128x32xf32, #tpu.memory_space<vmem>>
    %dma_start3A_129 = arith.constant 0 : i32
    %dma_start3A_130 = tpu.memref_slice %arg6[%dma_start3A_125, %dma_start3A_129] : memref<4x128xi32, #tpu.memory_space<vmem>> -> memref<1x128xi32, #tpu.memory_space<vmem>>
    %dma_start3A_131 = tpu.memref_squeeze %dma_start3A_130 : memref<1x128xi32, #tpu.memory_space<vmem>> -> memref<128xi32, #tpu.memory_space<vmem>>
    %dma_start3A_132 = arith.constant 0 : i32
    %dma_start3A_133 = arith.constant 0 : i32
    %dma_start3A_134 = tpu.memref_slice %arg4[%dma_start3A_132, %dma_start3A_133] : memref<100000x32xf32, #tpu.memory_space<hbm>> -> memref<100000x32xf32, #tpu.memory_space<hbm>>
    tpu.enqueue_indirect_dma source(%dma_start3A_134 : memref<100000x32xf32, #tpu.memory_space<hbm>>) target(%dma_start3A_128 : memref<128x32xf32, #tpu.memory_space<vmem>>) offsets(%dma_start3A_131 : memref<128xi32, #tpu.memory_space<vmem>>) semaphore(%arg12 : memref<!tpu.dma_semaphore, #tpu.memory_space<semaphore_mem>>)
    %dma_wait3A_135 = arith.constant 1 : i32
    %dma_wait3A_136 = arith.constant 0 : i32
    %dma_wait3A_137 = arith.constant 0 : i32
    %dma_wait3A_138 = tpu.memref_slice %arg7[%dma_wait3A_136, %dma_wait3A_137] : memref<4x128xi32, #tpu.memory_space<vmem>> -> memref<1x128xi32, #tpu.memory_space<vmem>>
    %dma_wait3A_139 = tpu.memref_squeeze %dma_wait3A_138 : memref<1x128xi32, #tpu.memory_space<vmem>> -> memref<128xi32, #tpu.memory_space<vmem>>
    %dma_wait3A_140 = tpu.memref_slice %arg2[%dma_wait3A_135, %add3A_17] : memref<12x16384xi32, #tpu.memory_space<hbm>> -> memref<1x128xi32, #tpu.memory_space<hbm>>
    %dma_wait3A_141 = tpu.memref_squeeze %dma_wait3A_140 : memref<1x128xi32, #tpu.memory_space<hbm>> -> memref<128xi32, #tpu.memory_space<hbm>>
    %dma_wait3A_142 = arith.constant 0 : i32
    %dma_wait3A_143 = tpu.memref_slice %arg7[%dma_wait3A_136, %dma_wait3A_142] : memref<4x128xi32, #tpu.memory_space<vmem>> -> memref<1x128xi32, #tpu.memory_space<vmem>>
    %dma_wait3A_144 = tpu.memref_squeeze %dma_wait3A_143 : memref<1x128xi32, #tpu.memory_space<vmem>> -> memref<128xi32, #tpu.memory_space<vmem>>
    %dma_wait3A_145 = tpu.memref_slice %arg2[%dma_wait3A_135, %add3A_17] : memref<12x16384xi32, #tpu.memory_space<hbm>> -> memref<1x128xi32, #tpu.memory_space<hbm>>
    %dma_wait3A_146 = tpu.memref_squeeze %dma_wait3A_145 : memref<1x128xi32, #tpu.memory_space<hbm>> -> memref<128xi32, #tpu.memory_space<hbm>>
    tpu.wait_dma2 semaphore(%arg11 : memref<!tpu.dma_semaphore, #tpu.memory_space<semaphore_mem>>) src(%dma_wait3A_146 : memref<128xi32, #tpu.memory_space<hbm>>) dst(%dma_wait3A_144 : memref<128xi32, #tpu.memory_space<vmem>>)
    %dma_start3A_147 = arith.constant 0 : i32
    %dma_start3A_148 = arith.constant 0 : i32
    %dma_start3A_149 = arith.constant 0 : i32
    %dma_start3A_150 = tpu.memref_slice %arg9[%dma_start3A_148, %dma_start3A_149] : memref<512x32xf32, #tpu.memory_space<vmem>> -> memref<128x32xf32, #tpu.memory_space<vmem>>
    %dma_start3A_151 = arith.constant 0 : i32
    %dma_start3A_152 = tpu.memref_slice %arg7[%dma_start3A_147, %dma_start3A_151] : memref<4x128xi32, #tpu.memory_space<vmem>> -> memref<1x128xi32, #tpu.memory_space<vmem>>
    %dma_start3A_153 = tpu.memref_squeeze %dma_start3A_152 : memref<1x128xi32, #tpu.memory_space<vmem>> -> memref<128xi32, #tpu.memory_space<vmem>>
    %dma_start3A_154 = arith.constant 0 : i32
    %dma_start3A_155 = arith.constant 0 : i32
    %dma_start3A_156 = tpu.memref_slice %arg3[%dma_start3A_154, %dma_start3A_155] : memref<100000x32xf32, #tpu.memory_space<hbm>> -> memref<100000x32xf32, #tpu.memory_space<hbm>>
    tpu.enqueue_indirect_dma source(%dma_start3A_156 : memref<100000x32xf32, #tpu.memory_space<hbm>>) target(%dma_start3A_150 : memref<128x32xf32, #tpu.memory_space<vmem>>) offsets(%dma_start3A_153 : memref<128xi32, #tpu.memory_space<vmem>>) semaphore(%arg12 : memref<!tpu.dma_semaphore, #tpu.memory_space<semaphore_mem>>)
    %dma_wait3A_157 = arith.constant 0 : i32
    %dma_wait3A_158 = arith.constant 1 : i32
    %dma_wait3A_159 = arith.constant 0 : i32
    %dma_wait3A_160 = tpu.memref_slice %arg6[%dma_wait3A_158, %dma_wait3A_159] : memref<4x128xi32, #tpu.memory_space<vmem>> -> memref<1x128xi32, #tpu.memory_space<vmem>>
    %dma_wait3A_161 = tpu.memref_squeeze %dma_wait3A_160 : memref<1x128xi32, #tpu.memory_space<vmem>> -> memref<128xi32, #tpu.memory_space<vmem>>
    %dma_wait3A_162 = tpu.memref_slice %arg2[%dma_wait3A_157, %add3A_31] : memref<12x16384xi32, #tpu.memory_space<hbm>> -> memref<1x128xi32, #tpu.memory_space<hbm>>
    %dma_wait3A_163 = tpu.memref_squeeze %dma_wait3A_162 : memref<1x128xi32, #tpu.memory_space<hbm>> -> memref<128xi32, #tpu.memory_space<hbm>>
    %dma_wait3A_164 = arith.constant 0 : i32
    %dma_wait3A_165 = tpu.memref_slice %arg6[%dma_wait3A_158, %dma_wait3A_164] : memref<4x128xi32, #tpu.memory_space<vmem>> -> memref<1x128xi32, #tpu.memory_space<vmem>>
    %dma_wait3A_166 = tpu.memref_squeeze %dma_wait3A_165 : memref<1x128xi32, #tpu.memory_space<vmem>> -> memref<128xi32, #tpu.memory_space<vmem>>
    %dma_wait3A_167 = tpu.memref_slice %arg2[%dma_wait3A_157, %add3A_31] : memref<12x16384xi32, #tpu.memory_space<hbm>> -> memref<1x128xi32, #tpu.memory_space<hbm>>
    %dma_wait3A_168 = tpu.memref_squeeze %dma_wait3A_167 : memref<1x128xi32, #tpu.memory_space<hbm>> -> memref<128xi32, #tpu.memory_space<hbm>>
    tpu.wait_dma2 semaphore(%arg11 : memref<!tpu.dma_semaphore, #tpu.memory_space<semaphore_mem>>) src(%dma_wait3A_168 : memref<128xi32, #tpu.memory_space<hbm>>) dst(%dma_wait3A_166 : memref<128xi32, #tpu.memory_space<vmem>>)
    %dma_start3A_169 = arith.constant 1 : i32
    %dma_start3A_170 = arith.constant 128 : i32
    %dma_start3A_171 = arith.constant 0 : i32
    %dma_start3A_172 = tpu.memref_slice %arg8[%dma_start3A_170, %dma_start3A_171] : memref<512x32xf32, #tpu.memory_space<vmem>> -> memref<128x32xf32, #tpu.memory_space<vmem>>
    %dma_start3A_173 = arith.constant 0 : i32
    %dma_start3A_174 = tpu.memref_slice %arg6[%dma_start3A_169, %dma_start3A_173] : memref<4x128xi32, #tpu.memory_space<vmem>> -> memref<1x128xi32, #tpu.memory_space<vmem>>
    %dma_start3A_175 = tpu.memref_squeeze %dma_start3A_174 : memref<1x128xi32, #tpu.memory_space<vmem>> -> memref<128xi32, #tpu.memory_space<vmem>>
    %dma_start3A_176 = arith.constant 0 : i32
    %dma_start3A_177 = arith.constant 0 : i32
    %dma_start3A_178 = tpu.memref_slice %arg4[%dma_start3A_176, %dma_start3A_177] : memref<100000x32xf32, #tpu.memory_space<hbm>> -> memref<100000x32xf32, #tpu.memory_space<hbm>>
    tpu.enqueue_indirect_dma source(%dma_start3A_178 : memref<100000x32xf32, #tpu.memory_space<hbm>>) target(%dma_start3A_172 : memref<128x32xf32, #tpu.memory_space<vmem>>) offsets(%dma_start3A_175 : memref<128xi32, #tpu.memory_space<vmem>>) semaphore(%arg12 : memref<!tpu.dma_semaphore, #tpu.memory_space<semaphore_mem>>)
    %dma_wait3A_179 = arith.constant 1 : i32
    %dma_wait3A_180 = arith.constant 1 : i32
    %dma_wait3A_181 = arith.constant 0 : i32
    %dma_wait3A_182 = tpu.memref_slice %arg7[%dma_wait3A_180, %dma_wait3A_181] : memref<4x128xi32, #tpu.memory_space<vmem>> -> memref<1x128xi32, #tpu.memory_space<vmem>>
    %dma_wait3A_183 = tpu.memref_squeeze %dma_wait3A_182 : memref<1x128xi32, #tpu.memory_space<vmem>> -> memref<128xi32, #tpu.memory_space<vmem>>
    %dma_wait3A_184 = tpu.memref_slice %arg2[%dma_wait3A_179, %add3A_45] : memref<12x16384xi32, #tpu.memory_space<hbm>> -> memref<1x128xi32, #tpu.memory_space<hbm>>
    %dma_wait3A_185 = tpu.memref_squeeze %dma_wait3A_184 : memref<1x128xi32, #tpu.memory_space<hbm>> -> memref<128xi32, #tpu.memory_space<hbm>>
    %dma_wait3A_186 = arith.constant 0 : i32
    %dma_wait3A_187 = tpu.memref_slice %arg7[%dma_wait3A_180, %dma_wait3A_186] : memref<4x128xi32, #tpu.memory_space<vmem>> -> memref<1x128xi32, #tpu.memory_space<vmem>>
    %dma_wait3A_188 = tpu.memref_squeeze %dma_wait3A_187 : memref<1x128xi32, #tpu.memory_space<vmem>> -> memref<128xi32, #tpu.memory_space<vmem>>
    %dma_wait3A_189 = tpu.memref_slice %arg2[%dma_wait3A_179, %add3A_45] : memref<12x16384xi32, #tpu.memory_space<hbm>> -> memref<1x128xi32, #tpu.memory_space<hbm>>
    %dma_wait3A_190 = tpu.memref_squeeze %dma_wait3A_189 : memref<1x128xi32, #tpu.memory_space<hbm>> -> memref<128xi32, #tpu.memory_space<hbm>>
    tpu.wait_dma2 semaphore(%arg11 : memref<!tpu.dma_semaphore, #tpu.memory_space<semaphore_mem>>) src(%dma_wait3A_190 : memref<128xi32, #tpu.memory_space<hbm>>) dst(%dma_wait3A_188 : memref<128xi32, #tpu.memory_space<vmem>>)
    %dma_start3A_191 = arith.constant 1 : i32
    %dma_start3A_192 = arith.constant 128 : i32
    %dma_start3A_193 = arith.constant 0 : i32
    %dma_start3A_194 = tpu.memref_slice %arg9[%dma_start3A_192, %dma_start3A_193] : memref<512x32xf32, #tpu.memory_space<vmem>> -> memref<128x32xf32, #tpu.memory_space<vmem>>
    %dma_start3A_195 = arith.constant 0 : i32
    %dma_start3A_196 = tpu.memref_slice %arg7[%dma_start3A_191, %dma_start3A_195] : memref<4x128xi32, #tpu.memory_space<vmem>> -> memref<1x128xi32, #tpu.memory_space<vmem>>
    %dma_start3A_197 = tpu.memref_squeeze %dma_start3A_196 : memref<1x128xi32, #tpu.memory_space<vmem>> -> memref<128xi32, #tpu.memory_space<vmem>>
    %dma_start3A_198 = arith.constant 0 : i32
    %dma_start3A_199 = arith.constant 0 : i32
    %dma_start3A_200 = tpu.memref_slice %arg3[%dma_start3A_198, %dma_start3A_199] : memref<100000x32xf32, #tpu.memory_space<hbm>> -> memref<100000x32xf32, #tpu.memory_space<hbm>>
    tpu.enqueue_indirect_dma source(%dma_start3A_200 : memref<100000x32xf32, #tpu.memory_space<hbm>>) target(%dma_start3A_194 : memref<128x32xf32, #tpu.memory_space<vmem>>) offsets(%dma_start3A_197 : memref<128xi32, #tpu.memory_space<vmem>>) semaphore(%arg12 : memref<!tpu.dma_semaphore, #tpu.memory_space<semaphore_mem>>)
    %dma_wait3A_201 = arith.constant 0 : i32
    %dma_wait3A_202 = arith.constant 2 : i32
    %dma_wait3A_203 = arith.constant 0 : i32
    %dma_wait3A_204 = tpu.memref_slice %arg6[%dma_wait3A_202, %dma_wait3A_203] : memref<4x128xi32, #tpu.memory_space<vmem>> -> memref<1x128xi32, #tpu.memory_space<vmem>>
    %dma_wait3A_205 = tpu.memref_squeeze %dma_wait3A_204 : memref<1x128xi32, #tpu.memory_space<vmem>> -> memref<128xi32, #tpu.memory_space<vmem>>
    %dma_wait3A_206 = tpu.memref_slice %arg2[%dma_wait3A_201, %add3A_59] : memref<12x16384xi32, #tpu.memory_space<hbm>> -> memref<1x128xi32, #tpu.memory_space<hbm>>
    %dma_wait3A_207 = tpu.memref_squeeze %dma_wait3A_206 : memref<1x128xi32, #tpu.memory_space<hbm>> -> memref<128xi32, #tpu.memory_space<hbm>>
    %dma_wait3A_208 = arith.constant 0 : i32
    %dma_wait3A_209 = tpu.memref_slice %arg6[%dma_wait3A_202, %dma_wait3A_208] : memref<4x128xi32, #tpu.memory_space<vmem>> -> memref<1x128xi32, #tpu.memory_space<vmem>>
    %dma_wait3A_210 = tpu.memref_squeeze %dma_wait3A_209 : memref<1x128xi32, #tpu.memory_space<vmem>> -> memref<128xi32, #tpu.memory_space<vmem>>
    %dma_wait3A_211 = tpu.memref_slice %arg2[%dma_wait3A_201, %add3A_59] : memref<12x16384xi32, #tpu.memory_space<hbm>> -> memref<1x128xi32, #tpu.memory_space<hbm>>
    %dma_wait3A_212 = tpu.memref_squeeze %dma_wait3A_211 : memref<1x128xi32, #tpu.memory_space<hbm>> -> memref<128xi32, #tpu.memory_space<hbm>>
    tpu.wait_dma2 semaphore(%arg11 : memref<!tpu.dma_semaphore, #tpu.memory_space<semaphore_mem>>) src(%dma_wait3A_212 : memref<128xi32, #tpu.memory_space<hbm>>) dst(%dma_wait3A_210 : memref<128xi32, #tpu.memory_space<vmem>>)
    %dma_start3A_213 = arith.constant 2 : i32
    %dma_start3A_214 = arith.constant 256 : i32
    %dma_start3A_215 = arith.constant 0 : i32
    %dma_start3A_216 = tpu.memref_slice %arg8[%dma_start3A_214, %dma_start3A_215] : memref<512x32xf32, #tpu.memory_space<vmem>> -> memref<128x32xf32, #tpu.memory_space<vmem>>
    %dma_start3A_217 = arith.constant 0 : i32
    %dma_start3A_218 = tpu.memref_slice %arg6[%dma_start3A_213, %dma_start3A_217] : memref<4x128xi32, #tpu.memory_space<vmem>> -> memref<1x128xi32, #tpu.memory_space<vmem>>
    %dma_start3A_219 = tpu.memref_squeeze %dma_start3A_218 : memref<1x128xi32, #tpu.memory_space<vmem>> -> memref<128xi32, #tpu.memory_space<vmem>>
    %dma_start3A_220 = arith.constant 0 : i32
    %dma_start3A_221 = arith.constant 0 : i32
    %dma_start3A_222 = tpu.memref_slice %arg4[%dma_start3A_220, %dma_start3A_221] : memref<100000x32xf32, #tpu.memory_space<hbm>> -> memref<100000x32xf32, #tpu.memory_space<hbm>>
    tpu.enqueue_indirect_dma source(%dma_start3A_222 : memref<100000x32xf32, #tpu.memory_space<hbm>>) target(%dma_start3A_216 : memref<128x32xf32, #tpu.memory_space<vmem>>) offsets(%dma_start3A_219 : memref<128xi32, #tpu.memory_space<vmem>>) semaphore(%arg12 : memref<!tpu.dma_semaphore, #tpu.memory_space<semaphore_mem>>)
    %dma_wait3A_223 = arith.constant 1 : i32
    %dma_wait3A_224 = arith.constant 2 : i32
    %dma_wait3A_225 = arith.constant 0 : i32
    %dma_wait3A_226 = tpu.memref_slice %arg7[%dma_wait3A_224, %dma_wait3A_225] : memref<4x128xi32, #tpu.memory_space<vmem>> -> memref<1x128xi32, #tpu.memory_space<vmem>>
    %dma_wait3A_227 = tpu.memref_squeeze %dma_wait3A_226 : memref<1x128xi32, #tpu.memory_space<vmem>> -> memref<128xi32, #tpu.memory_space<vmem>>
    %dma_wait3A_228 = tpu.memref_slice %arg2[%dma_wait3A_223, %add3A_73] : memref<12x16384xi32, #tpu.memory_space<hbm>> -> memref<1x128xi32, #tpu.memory_space<hbm>>
    %dma_wait3A_229 = tpu.memref_squeeze %dma_wait3A_228 : memref<1x128xi32, #tpu.memory_space<hbm>> -> memref<128xi32, #tpu.memory_space<hbm>>
    %dma_wait3A_230 = arith.constant 0 : i32
    %dma_wait3A_231 = tpu.memref_slice %arg7[%dma_wait3A_224, %dma_wait3A_230] : memref<4x128xi32, #tpu.memory_space<vmem>> -> memref<1x128xi32, #tpu.memory_space<vmem>>
    %dma_wait3A_232 = tpu.memref_squeeze %dma_wait3A_231 : memref<1x128xi32, #tpu.memory_space<vmem>> -> memref<128xi32, #tpu.memory_space<vmem>>
    %dma_wait3A_233 = tpu.memref_slice %arg2[%dma_wait3A_223, %add3A_73] : memref<12x16384xi32, #tpu.memory_space<hbm>> -> memref<1x128xi32, #tpu.memory_space<hbm>>
    %dma_wait3A_234 = tpu.memref_squeeze %dma_wait3A_233 : memref<1x128xi32, #tpu.memory_space<hbm>> -> memref<128xi32, #tpu.memory_space<hbm>>
    tpu.wait_dma2 semaphore(%arg11 : memref<!tpu.dma_semaphore, #tpu.memory_space<semaphore_mem>>) src(%dma_wait3A_234 : memref<128xi32, #tpu.memory_space<hbm>>) dst(%dma_wait3A_232 : memref<128xi32, #tpu.memory_space<vmem>>)
    %dma_start3A_235 = arith.constant 2 : i32
    %dma_start3A_236 = arith.constant 256 : i32
    %dma_start3A_237 = arith.constant 0 : i32
    %dma_start3A_238 = tpu.memref_slice %arg9[%dma_start3A_236, %dma_start3A_237] : memref<512x32xf32, #tpu.memory_space<vmem>> -> memref<128x32xf32, #tpu.memory_space<vmem>>
    %dma_start3A_239 = arith.constant 0 : i32
    %dma_start3A_240 = tpu.memref_slice %arg7[%dma_start3A_235, %dma_start3A_239] : memref<4x128xi32, #tpu.memory_space<vmem>> -> memref<1x128xi32, #tpu.memory_space<vmem>>
    %dma_start3A_241 = tpu.memref_squeeze %dma_start3A_240 : memref<1x128xi32, #tpu.memory_space<vmem>> -> memref<128xi32, #tpu.memory_space<vmem>>
    %dma_start3A_242 = arith.constant 0 : i32
    %dma_start3A_243 = arith.constant 0 : i32
    %dma_start3A_244 = tpu.memref_slice %arg3[%dma_start3A_242, %dma_start3A_243] : memref<100000x32xf32, #tpu.memory_space<hbm>> -> memref<100000x32xf32, #tpu.memory_space<hbm>>
    tpu.enqueue_indirect_dma source(%dma_start3A_244 : memref<100000x32xf32, #tpu.memory_space<hbm>>) target(%dma_start3A_238 : memref<128x32xf32, #tpu.memory_space<vmem>>) offsets(%dma_start3A_241 : memref<128xi32, #tpu.memory_space<vmem>>) semaphore(%arg12 : memref<!tpu.dma_semaphore, #tpu.memory_space<semaphore_mem>>)
    %dma_wait3A_245 = arith.constant 0 : i32
    %dma_wait3A_246 = arith.constant 3 : i32
    %dma_wait3A_247 = arith.constant 0 : i32
    %dma_wait3A_248 = tpu.memref_slice %arg6[%dma_wait3A_246, %dma_wait3A_247] : memref<4x128xi32, #tpu.memory_space<vmem>> -> memref<1x128xi32, #tpu.memory_space<vmem>>
    %dma_wait3A_249 = tpu.memref_squeeze %dma_wait3A_248 : memref<1x128xi32, #tpu.memory_space<vmem>> -> memref<128xi32, #tpu.memory_space<vmem>>
    %dma_wait3A_250 = tpu.memref_slice %arg2[%dma_wait3A_245, %add3A_87] : memref<12x16384xi32, #tpu.memory_space<hbm>> -> memref<1x128xi32, #tpu.memory_space<hbm>>
    %dma_wait3A_251 = tpu.memref_squeeze %dma_wait3A_250 : memref<1x128xi32, #tpu.memory_space<hbm>> -> memref<128xi32, #tpu.memory_space<hbm>>
    %dma_wait3A_252 = arith.constant 0 : i32
    %dma_wait3A_253 = tpu.memref_slice %arg6[%dma_wait3A_246, %dma_wait3A_252] : memref<4x128xi32, #tpu.memory_space<vmem>> -> memref<1x128xi32, #tpu.memory_space<vmem>>
    %dma_wait3A_254 = tpu.memref_squeeze %dma_wait3A_253 : memref<1x128xi32, #tpu.memory_space<vmem>> -> memref<128xi32, #tpu.memory_space<vmem>>
    %dma_wait3A_255 = tpu.memref_slice %arg2[%dma_wait3A_245, %add3A_87] : memref<12x16384xi32, #tpu.memory_space<hbm>> -> memref<1x128xi32, #tpu.memory_space<hbm>>
    %dma_wait3A_256 = tpu.memref_squeeze %dma_wait3A_255 : memref<1x128xi32, #tpu.memory_space<hbm>> -> memref<128xi32, #tpu.memory_space<hbm>>
    tpu.wait_dma2 semaphore(%arg11 : memref<!tpu.dma_semaphore, #tpu.memory_space<semaphore_mem>>) src(%dma_wait3A_256 : memref<128xi32, #tpu.memory_space<hbm>>) dst(%dma_wait3A_254 : memref<128xi32, #tpu.memory_space<vmem>>)
    %dma_start3A_257 = arith.constant 3 : i32
    %dma_start3A_258 = arith.constant 384 : i32
    %dma_start3A_259 = arith.constant 0 : i32
    %dma_start3A_260 = tpu.memref_slice %arg8[%dma_start3A_258, %dma_start3A_259] : memref<512x32xf32, #tpu.memory_space<vmem>> -> memref<128x32xf32, #tpu.memory_space<vmem>>
    %dma_start3A_261 = arith.constant 0 : i32
    %dma_start3A_262 = tpu.memref_slice %arg6[%dma_start3A_257, %dma_start3A_261] : memref<4x128xi32, #tpu.memory_space<vmem>> -> memref<1x128xi32, #tpu.memory_space<vmem>>
    %dma_start3A_263 = tpu.memref_squeeze %dma_start3A_262 : memref<1x128xi32, #tpu.memory_space<vmem>> -> memref<128xi32, #tpu.memory_space<vmem>>
    %dma_start3A_264 = arith.constant 0 : i32
    %dma_start3A_265 = arith.constant 0 : i32
    %dma_start3A_266 = tpu.memref_slice %arg4[%dma_start3A_264, %dma_start3A_265] : memref<100000x32xf32, #tpu.memory_space<hbm>> -> memref<100000x32xf32, #tpu.memory_space<hbm>>
    tpu.enqueue_indirect_dma source(%dma_start3A_266 : memref<100000x32xf32, #tpu.memory_space<hbm>>) target(%dma_start3A_260 : memref<128x32xf32, #tpu.memory_space<vmem>>) offsets(%dma_start3A_263 : memref<128xi32, #tpu.memory_space<vmem>>) semaphore(%arg12 : memref<!tpu.dma_semaphore, #tpu.memory_space<semaphore_mem>>)
    %dma_wait3A_267 = arith.constant 1 : i32
    %dma_wait3A_268 = arith.constant 3 : i32
    %dma_wait3A_269 = arith.constant 0 : i32
    %dma_wait3A_270 = tpu.memref_slice %arg7[%dma_wait3A_268, %dma_wait3A_269] : memref<4x128xi32, #tpu.memory_space<vmem>> -> memref<1x128xi32, #tpu.memory_space<vmem>>
    %dma_wait3A_271 = tpu.memref_squeeze %dma_wait3A_270 : memref<1x128xi32, #tpu.memory_space<vmem>> -> memref<128xi32, #tpu.memory_space<vmem>>
    %dma_wait3A_272 = tpu.memref_slice %arg2[%dma_wait3A_267, %add3A_101] : memref<12x16384xi32, #tpu.memory_space<hbm>> -> memref<1x128xi32, #tpu.memory_space<hbm>>
    %dma_wait3A_273 = tpu.memref_squeeze %dma_wait3A_272 : memref<1x128xi32, #tpu.memory_space<hbm>> -> memref<128xi32, #tpu.memory_space<hbm>>
    %dma_wait3A_274 = arith.constant 0 : i32
    %dma_wait3A_275 = tpu.memref_slice %arg7[%dma_wait3A_268, %dma_wait3A_274] : memref<4x128xi32, #tpu.memory_space<vmem>> -> memref<1x128xi32, #tpu.memory_space<vmem>>
    %dma_wait3A_276 = tpu.memref_squeeze %dma_wait3A_275 : memref<1x128xi32, #tpu.memory_space<vmem>> -> memref<128xi32, #tpu.memory_space<vmem>>
    %dma_wait3A_277 = tpu.memref_slice %arg2[%dma_wait3A_267, %add3A_101] : memref<12x16384xi32, #tpu.memory_space<hbm>> -> memref<1x128xi32, #tpu.memory_space<hbm>>
    %dma_wait3A_278 = tpu.memref_squeeze %dma_wait3A_277 : memref<1x128xi32, #tpu.memory_space<hbm>> -> memref<128xi32, #tpu.memory_space<hbm>>
    tpu.wait_dma2 semaphore(%arg11 : memref<!tpu.dma_semaphore, #tpu.memory_space<semaphore_mem>>) src(%dma_wait3A_278 : memref<128xi32, #tpu.memory_space<hbm>>) dst(%dma_wait3A_276 : memref<128xi32, #tpu.memory_space<vmem>>)
    %dma_start3A_279 = arith.constant 3 : i32
    %dma_start3A_280 = arith.constant 384 : i32
    %dma_start3A_281 = arith.constant 0 : i32
    %dma_start3A_282 = tpu.memref_slice %arg9[%dma_start3A_280, %dma_start3A_281] : memref<512x32xf32, #tpu.memory_space<vmem>> -> memref<128x32xf32, #tpu.memory_space<vmem>>
    %dma_start3A_283 = arith.constant 0 : i32
    %dma_start3A_284 = tpu.memref_slice %arg7[%dma_start3A_279, %dma_start3A_283] : memref<4x128xi32, #tpu.memory_space<vmem>> -> memref<1x128xi32, #tpu.memory_space<vmem>>
    %dma_start3A_285 = tpu.memref_squeeze %dma_start3A_284 : memref<1x128xi32, #tpu.memory_space<vmem>> -> memref<128xi32, #tpu.memory_space<vmem>>
    %dma_start3A_286 = arith.constant 0 : i32
    %dma_start3A_287 = arith.constant 0 : i32
    %dma_start3A_288 = tpu.memref_slice %arg3[%dma_start3A_286, %dma_start3A_287] : memref<100000x32xf32, #tpu.memory_space<hbm>> -> memref<100000x32xf32, #tpu.memory_space<hbm>>
    tpu.enqueue_indirect_dma source(%dma_start3A_288 : memref<100000x32xf32, #tpu.memory_space<hbm>>) target(%dma_start3A_282 : memref<128x32xf32, #tpu.memory_space<vmem>>) offsets(%dma_start3A_285 : memref<128xi32, #tpu.memory_space<vmem>>) semaphore(%arg12 : memref<!tpu.dma_semaphore, #tpu.memory_space<semaphore_mem>>)
    %dma_wait3A_289 = arith.constant 0 : i32
    %dma_wait3A_290 = arith.constant 0 : i32
    %dma_wait3A_291 = arith.constant 0 : i32
    %dma_wait3A_292 = tpu.memref_slice %arg8[%dma_wait3A_290, %dma_wait3A_291] : memref<512x32xf32, #tpu.memory_space<vmem>> -> memref<128x32xf32, #tpu.memory_space<vmem>>
    %dma_wait3A_293 = arith.constant 0 : i32
    %dma_wait3A_294 = tpu.memref_slice %arg6[%dma_wait3A_289, %dma_wait3A_293] : memref<4x128xi32, #tpu.memory_space<vmem>> -> memref<1x128xi32, #tpu.memory_space<vmem>>
    %dma_wait3A_295 = tpu.memref_squeeze %dma_wait3A_294 : memref<1x128xi32, #tpu.memory_space<vmem>> -> memref<128xi32, #tpu.memory_space<vmem>>
    %dma_wait3A_296 = arith.constant 0 : i32
    %dma_wait3A_297 = arith.constant 0 : i32
    %dma_wait3A_298 = tpu.memref_slice %arg4[%dma_wait3A_296, %dma_wait3A_297] : memref<100000x32xf32, #tpu.memory_space<hbm>> -> memref<100000x32xf32, #tpu.memory_space<hbm>>
    tpu.wait_indirect_dma semaphore(%arg12 : memref<!tpu.dma_semaphore, #tpu.memory_space<semaphore_mem>>) src(%dma_wait3A_298 : memref<100000x32xf32, #tpu.memory_space<hbm>>) dst(%dma_wait3A_292 : memref<128x32xf32, #tpu.memory_space<vmem>>)
    %dma_wait3A_299 = arith.constant 0 : i32
    %dma_wait3A_300 = arith.constant 0 : i32
    %dma_wait3A_301 = arith.constant 0 : i32
    %dma_wait3A_302 = tpu.memref_slice %arg9[%dma_wait3A_300, %dma_wait3A_301] : memref<512x32xf32, #tpu.memory_space<vmem>> -> memref<128x32xf32, #tpu.memory_space<vmem>>
    %dma_wait3A_303 = arith.constant 0 : i32
    %dma_wait3A_304 = tpu.memref_slice %arg7[%dma_wait3A_299, %dma_wait3A_303] : memref<4x128xi32, #tpu.memory_space<vmem>> -> memref<1x128xi32, #tpu.memory_space<vmem>>
    %dma_wait3A_305 = tpu.memref_squeeze %dma_wait3A_304 : memref<1x128xi32, #tpu.memory_space<vmem>> -> memref<128xi32, #tpu.memory_space<vmem>>
    %dma_wait3A_306 = arith.constant 0 : i32
    %dma_wait3A_307 = arith.constant 0 : i32
    %dma_wait3A_308 = tpu.memref_slice %arg3[%dma_wait3A_306, %dma_wait3A_307] : memref<100000x32xf32, #tpu.memory_space<hbm>> -> memref<100000x32xf32, #tpu.memory_space<hbm>>
    tpu.wait_indirect_dma semaphore(%arg12 : memref<!tpu.dma_semaphore, #tpu.memory_space<semaphore_mem>>) src(%dma_wait3A_308 : memref<100000x32xf32, #tpu.memory_space<hbm>>) dst(%dma_wait3A_302 : memref<128x32xf32, #tpu.memory_space<vmem>>)
    %dma_wait3A_309 = arith.constant 1 : i32
    %dma_wait3A_310 = arith.constant 128 : i32
    %dma_wait3A_311 = arith.constant 0 : i32
    %dma_wait3A_312 = tpu.memref_slice %arg8[%dma_wait3A_310, %dma_wait3A_311] : memref<512x32xf32, #tpu.memory_space<vmem>> -> memref<128x32xf32, #tpu.memory_space<vmem>>
    %dma_wait3A_313 = arith.constant 0 : i32
    %dma_wait3A_314 = tpu.memref_slice %arg6[%dma_wait3A_309, %dma_wait3A_313] : memref<4x128xi32, #tpu.memory_space<vmem>> -> memref<1x128xi32, #tpu.memory_space<vmem>>
    %dma_wait3A_315 = tpu.memref_squeeze %dma_wait3A_314 : memref<1x128xi32, #tpu.memory_space<vmem>> -> memref<128xi32, #tpu.memory_space<vmem>>
    %dma_wait3A_316 = arith.constant 0 : i32
    %dma_wait3A_317 = arith.constant 0 : i32
    %dma_wait3A_318 = tpu.memref_slice %arg4[%dma_wait3A_316, %dma_wait3A_317] : memref<100000x32xf32, #tpu.memory_space<hbm>> -> memref<100000x32xf32, #tpu.memory_space<hbm>>
    tpu.wait_indirect_dma semaphore(%arg12 : memref<!tpu.dma_semaphore, #tpu.memory_space<semaphore_mem>>) src(%dma_wait3A_318 : memref<100000x32xf32, #tpu.memory_space<hbm>>) dst(%dma_wait3A_312 : memref<128x32xf32, #tpu.memory_space<vmem>>)
    %dma_wait3A_319 = arith.constant 1 : i32
    %dma_wait3A_320 = arith.constant 128 : i32
    %dma_wait3A_321 = arith.constant 0 : i32
    %dma_wait3A_322 = tpu.memref_slice %arg9[%dma_wait3A_320, %dma_wait3A_321] : memref<512x32xf32, #tpu.memory_space<vmem>> -> memref<128x32xf32, #tpu.memory_space<vmem>>
    %dma_wait3A_323 = arith.constant 0 : i32
    %dma_wait3A_324 = tpu.memref_slice %arg7[%dma_wait3A_319, %dma_wait3A_323] : memref<4x128xi32, #tpu.memory_space<vmem>> -> memref<1x128xi32, #tpu.memory_space<vmem>>
    %dma_wait3A_325 = tpu.memref_squeeze %dma_wait3A_324 : memref<1x128xi32, #tpu.memory_space<vmem>> -> memref<128xi32, #tpu.memory_space<vmem>>
    %dma_wait3A_326 = arith.constant 0 : i32
    %dma_wait3A_327 = arith.constant 0 : i32
    %dma_wait3A_328 = tpu.memref_slice %arg3[%dma_wait3A_326, %dma_wait3A_327] : memref<100000x32xf32, #tpu.memory_space<hbm>> -> memref<100000x32xf32, #tpu.memory_space<hbm>>
    tpu.wait_indirect_dma semaphore(%arg12 : memref<!tpu.dma_semaphore, #tpu.memory_space<semaphore_mem>>) src(%dma_wait3A_328 : memref<100000x32xf32, #tpu.memory_space<hbm>>) dst(%dma_wait3A_322 : memref<128x32xf32, #tpu.memory_space<vmem>>)
    %dma_wait3A_329 = arith.constant 2 : i32
    %dma_wait3A_330 = arith.constant 256 : i32
    %dma_wait3A_331 = arith.constant 0 : i32
    %dma_wait3A_332 = tpu.memref_slice %arg8[%dma_wait3A_330, %dma_wait3A_331] : memref<512x32xf32, #tpu.memory_space<vmem>> -> memref<128x32xf32, #tpu.memory_space<vmem>>
    %dma_wait3A_333 = arith.constant 0 : i32
    %dma_wait3A_334 = tpu.memref_slice %arg6[%dma_wait3A_329, %dma_wait3A_333] : memref<4x128xi32, #tpu.memory_space<vmem>> -> memref<1x128xi32, #tpu.memory_space<vmem>>
    %dma_wait3A_335 = tpu.memref_squeeze %dma_wait3A_334 : memref<1x128xi32, #tpu.memory_space<vmem>> -> memref<128xi32, #tpu.memory_space<vmem>>
    %dma_wait3A_336 = arith.constant 0 : i32
    %dma_wait3A_337 = arith.constant 0 : i32
    %dma_wait3A_338 = tpu.memref_slice %arg4[%dma_wait3A_336, %dma_wait3A_337] : memref<100000x32xf32, #tpu.memory_space<hbm>> -> memref<100000x32xf32, #tpu.memory_space<hbm>>
    tpu.wait_indirect_dma semaphore(%arg12 : memref<!tpu.dma_semaphore, #tpu.memory_space<semaphore_mem>>) src(%dma_wait3A_338 : memref<100000x32xf32, #tpu.memory_space<hbm>>) dst(%dma_wait3A_332 : memref<128x32xf32, #tpu.memory_space<vmem>>)
    %dma_wait3A_339 = arith.constant 2 : i32
    %dma_wait3A_340 = arith.constant 256 : i32
    %dma_wait3A_341 = arith.constant 0 : i32
    %dma_wait3A_342 = tpu.memref_slice %arg9[%dma_wait3A_340, %dma_wait3A_341] : memref<512x32xf32, #tpu.memory_space<vmem>> -> memref<128x32xf32, #tpu.memory_space<vmem>>
    %dma_wait3A_343 = arith.constant 0 : i32
    %dma_wait3A_344 = tpu.memref_slice %arg7[%dma_wait3A_339, %dma_wait3A_343] : memref<4x128xi32, #tpu.memory_space<vmem>> -> memref<1x128xi32, #tpu.memory_space<vmem>>
    %dma_wait3A_345 = tpu.memref_squeeze %dma_wait3A_344 : memref<1x128xi32, #tpu.memory_space<vmem>> -> memref<128xi32, #tpu.memory_space<vmem>>
    %dma_wait3A_346 = arith.constant 0 : i32
    %dma_wait3A_347 = arith.constant 0 : i32
    %dma_wait3A_348 = tpu.memref_slice %arg3[%dma_wait3A_346, %dma_wait3A_347] : memref<100000x32xf32, #tpu.memory_space<hbm>> -> memref<100000x32xf32, #tpu.memory_space<hbm>>
    tpu.wait_indirect_dma semaphore(%arg12 : memref<!tpu.dma_semaphore, #tpu.memory_space<semaphore_mem>>) src(%dma_wait3A_348 : memref<100000x32xf32, #tpu.memory_space<hbm>>) dst(%dma_wait3A_342 : memref<128x32xf32, #tpu.memory_space<vmem>>)
    %dma_wait3A_349 = arith.constant 3 : i32
    %dma_wait3A_350 = arith.constant 384 : i32
    %dma_wait3A_351 = arith.constant 0 : i32
    %dma_wait3A_352 = tpu.memref_slice %arg8[%dma_wait3A_350, %dma_wait3A_351] : memref<512x32xf32, #tpu.memory_space<vmem>> -> memref<128x32xf32, #tpu.memory_space<vmem>>
    %dma_wait3A_353 = arith.constant 0 : i32
    %dma_wait3A_354 = tpu.memref_slice %arg6[%dma_wait3A_349, %dma_wait3A_353] : memref<4x128xi32, #tpu.memory_space<vmem>> -> memref<1x128xi32, #tpu.memory_space<vmem>>
    %dma_wait3A_355 = tpu.memref_squeeze %dma_wait3A_354 : memref<1x128xi32, #tpu.memory_space<vmem>> -> memref<128xi32, #tpu.memory_space<vmem>>
    %dma_wait3A_356 = arith.constant 0 : i32
    %dma_wait3A_357 = arith.constant 0 : i32
    %dma_wait3A_358 = tpu.memref_slice %arg4[%dma_wait3A_356, %dma_wait3A_357] : memref<100000x32xf32, #tpu.memory_space<hbm>> -> memref<100000x32xf32, #tpu.memory_space<hbm>>
    tpu.wait_indirect_dma semaphore(%arg12 : memref<!tpu.dma_semaphore, #tpu.memory_space<semaphore_mem>>) src(%dma_wait3A_358 : memref<100000x32xf32, #tpu.memory_space<hbm>>) dst(%dma_wait3A_352 : memref<128x32xf32, #tpu.memory_space<vmem>>)
    %dma_wait3A_359 = arith.constant 3 : i32
    %dma_wait3A_360 = arith.constant 384 : i32
    %dma_wait3A_361 = arith.constant 0 : i32
    %dma_wait3A_362 = tpu.memref_slice %arg9[%dma_wait3A_360, %dma_wait3A_361] : memref<512x32xf32, #tpu.memory_space<vmem>> -> memref<128x32xf32, #tpu.memory_space<vmem>>
    %dma_wait3A_363 = arith.constant 0 : i32
    %dma_wait3A_364 = tpu.memref_slice %arg7[%dma_wait3A_359, %dma_wait3A_363] : memref<4x128xi32, #tpu.memory_space<vmem>> -> memref<1x128xi32, #tpu.memory_space<vmem>>
    %dma_wait3A_365 = tpu.memref_squeeze %dma_wait3A_364 : memref<1x128xi32, #tpu.memory_space<vmem>> -> memref<128xi32, #tpu.memory_space<vmem>>
    %dma_wait3A_366 = arith.constant 0 : i32
    %dma_wait3A_367 = arith.constant 0 : i32
    %dma_wait3A_368 = tpu.memref_slice %arg3[%dma_wait3A_366, %dma_wait3A_367] : memref<100000x32xf32, #tpu.memory_space<hbm>> -> memref<100000x32xf32, #tpu.memory_space<hbm>>
    tpu.wait_indirect_dma semaphore(%arg12 : memref<!tpu.dma_semaphore, #tpu.memory_space<semaphore_mem>>) src(%dma_wait3A_368 : memref<100000x32xf32, #tpu.memory_space<hbm>>) dst(%dma_wait3A_362 : memref<128x32xf32, #tpu.memory_space<vmem>>)
    %iota3A = tpu.iota {dimensions = array<i32: 0>} : vector<16xi32>
    %scan3A = arith.constant 0 : i32
    %scan3A_369 = arith.constant 0 : i32
    %scan3A_370 = arith.constant 32 : i32
    %scan3A_371 = arith.addi %scan3A_369, %scan3A_370 : i32
    %scan3A_372 = arith.constant 1 : i32
    scf.for %scan3A_374 = %scan3A_369 to %scan3A_371 step %scan3A_372  : i32 {
      %broadcast_in_dim3A = arith.constant 0.000000e+00 : f32
      %broadcast_in_dim3A_375 = vector.broadcast %broadcast_in_dim3A : f32 to vector<16xf32>
      %mul3A_376 = arith.constant 16 : i32
      %mul3A_377 = arith.muli %scan3A_374, %mul3A_376 : i32
      %add3A_378 = arith.constant 0 : i32
      %add3A_379 = arith.addi %mul3A_377, %add3A_378 : i32
      %get3A = arith.index_cast %add3A_379 : i32 to index
      %get3A_380 = arith.constant 0 : index
      %get3A_381 = tpu.vector_load %arg8[%get3A, %get3A_380] {strides = array<i32>} : memref<512x32xf32, #tpu.memory_space<vmem>>, vector<16xf32>,
      %get3A_382 = arith.index_cast %add3A_379 : i32 to index
      %get3A_383 = arith.constant 0 : index
      %get3A_384 = tpu.vector_load %arg9[%get3A_382, %get3A_383] {strides = array<i32>} : memref<512x32xf32, #tpu.memory_space<vmem>>, vector<16xf32>,
      %mul3A_385 = arith.mulf %get3A_381, %get3A_384 : vector<16xf32>
      %get3A_386 = arith.index_cast %add3A_379 : i32 to index
      %get3A_387 = arith.constant 16 : index
      %get3A_388 = tpu.vector_load %arg8[%get3A_386, %get3A_387] {strides = array<i32>} : memref<512x32xf32, #tpu.memory_space<vmem>>, vector<16xf32>,
      %get3A_389 = arith.index_cast %add3A_379 : i32 to index
      %get3A_390 = arith.constant 16 : index
      %get3A_391 = tpu.vector_load %arg9[%get3A_389, %get3A_390] {strides = array<i32>} : memref<512x32xf32, #tpu.memory_space<vmem>>, vector<16xf32>,
      %mul3A_392 = arith.mulf %get3A_388, %get3A_391 : vector<16xf32>
      %add3A_393 = arith.addf %mul3A_385, %mul3A_392 : vector<16xf32>
      %eq3A = arith.constant 0 : i32
      %eq3A_394 = vector.broadcast %eq3A : i32 to vector<16xi32>
      %eq3A_395 = arith.cmpi eq, %iota3A, %eq3A_394 : vector<16xi32>
      %reduce_sum3A = arith.constant true
      %reduce_sum3A_396 = vector.broadcast %reduce_sum3A : i1 to vector<16xi1>
      %reduce_sum3A_397 = tpu.scan <sum>, %add3A_393 masked %reduce_sum3A_396 : vector<16xf32>, vector<16xi1> -> vector<16xf32>
      %reduce_sum3A_398 = vector.extract %reduce_sum3A_397[15] : f32 from vector<16xf32>
      %broadcast_in_dim3A_399 = vector.broadcast %reduce_sum3A_398 : f32 to vector<16xf32>
      %select_n3A = arith.select %eq3A_395, %broadcast_in_dim3A_399, %broadcast_in_dim3A_375 : vector<16xi1>, vector<16xf32>
      %mul3A_400 = arith.constant 16 : i32
      %mul3A_401 = arith.muli %scan3A_374, %mul3A_400 : i32
      %add3A_402 = arith.constant 1 : i32
      %add3A_403 = arith.addi %mul3A_401, %add3A_402 : i32
      %get3A_404 = arith.index_cast %add3A_403 : i32 to index
      %get3A_405 = arith.constant 0 : index
      %get3A_406 = tpu.vector_load %arg8[%get3A_404, %get3A_405] {strides = array<i32>} : memref<512x32xf32, #tpu.memory_space<vmem>>, vector<16xf32>,
      %get3A_407 = arith.index_cast %add3A_403 : i32 to index
      %get3A_408 = arith.constant 0 : index
      %get3A_409 = tpu.vector_load %arg9[%get3A_407, %get3A_408] {strides = array<i32>} : memref<512x32xf32, #tpu.memory_space<vmem>>, vector<16xf32>,
      %mul3A_410 = arith.mulf %get3A_406, %get3A_409 : vector<16xf32>
      %get3A_411 = arith.index_cast %add3A_403 : i32 to index
      %get3A_412 = arith.constant 16 : index
      %get3A_413 = tpu.vector_load %arg8[%get3A_411, %get3A_412] {strides = array<i32>} : memref<512x32xf32, #tpu.memory_space<vmem>>, vector<16xf32>,
      %get3A_414 = arith.index_cast %add3A_403 : i32 to index
      %get3A_415 = arith.constant 16 : index
      %get3A_416 = tpu.vector_load %arg9[%get3A_414, %get3A_415] {strides = array<i32>} : memref<512x32xf32, #tpu.memory_space<vmem>>, vector<16xf32>,
      %mul3A_417 = arith.mulf %get3A_413, %get3A_416 : vector<16xf32>
      %add3A_418 = arith.addf %mul3A_410, %mul3A_417 : vector<16xf32>
      %eq3A_419 = arith.constant 1 : i32
      %eq3A_420 = vector.broadcast %eq3A_419 : i32 to vector<16xi32>
      %eq3A_421 = arith.cmpi eq, %iota3A, %eq3A_420 : vector<16xi32>
      %reduce_sum3A_422 = arith.constant true
      %reduce_sum3A_423 = vector.broadcast %reduce_sum3A_422 : i1 to vector<16xi1>
      %reduce_sum3A_424 = tpu.scan <sum>, %add3A_418 masked %reduce_sum3A_423 : vector<16xf32>, vector<16xi1> -> vector<16xf32>
      %reduce_sum3A_425 = vector.extract %reduce_sum3A_424[15] : f32 from vector<16xf32>
      %broadcast_in_dim3A_426 = vector.broadcast %reduce_sum3A_425 : f32 to vector<16xf32>
      %select_n3A_427 = arith.select %eq3A_421, %broadcast_in_dim3A_426, %select_n3A : vector<16xi1>, vector<16xf32>
      %mul3A_428 = arith.constant 16 : i32
      %mul3A_429 = arith.muli %scan3A_374, %mul3A_428 : i32
      %add3A_430 = arith.constant 2 : i32
      %add3A_431 = arith.addi %mul3A_429, %add3A_430 : i32
      %get3A_432 = arith.index_cast %add3A_431 : i32 to index
      %get3A_433 = arith.constant 0 : index
      %get3A_434 = tpu.vector_load %arg8[%get3A_432, %get3A_433] {strides = array<i32>} : memref<512x32xf32, #tpu.memory_space<vmem>>, vector<16xf32>,
      %get3A_435 = arith.index_cast %add3A_431 : i32 to index
      %get3A_436 = arith.constant 0 : index
      %get3A_437 = tpu.vector_load %arg9[%get3A_435, %get3A_436] {strides = array<i32>} : memref<512x32xf32, #tpu.memory_space<vmem>>, vector<16xf32>,
      %mul3A_438 = arith.mulf %get3A_434, %get3A_437 : vector<16xf32>
      %get3A_439 = arith.index_cast %add3A_431 : i32 to index
      %get3A_440 = arith.constant 16 : index
      %get3A_441 = tpu.vector_load %arg8[%get3A_439, %get3A_440] {strides = array<i32>} : memref<512x32xf32, #tpu.memory_space<vmem>>, vector<16xf32>,
      %get3A_442 = arith.index_cast %add3A_431 : i32 to index
      %get3A_443 = arith.constant 16 : index
      %get3A_444 = tpu.vector_load %arg9[%get3A_442, %get3A_443] {strides = array<i32>} : memref<512x32xf32, #tpu.memory_space<vmem>>, vector<16xf32>,
      %mul3A_445 = arith.mulf %get3A_441, %get3A_444 : vector<16xf32>
      %add3A_446 = arith.addf %mul3A_438, %mul3A_445 : vector<16xf32>
      %eq3A_447 = arith.constant 2 : i32
      %eq3A_448 = vector.broadcast %eq3A_447 : i32 to vector<16xi32>
      %eq3A_449 = arith.cmpi eq, %iota3A, %eq3A_448 : vector<16xi32>
      %reduce_sum3A_450 = arith.constant true
      %reduce_sum3A_451 = vector.broadcast %reduce_sum3A_450 : i1 to vector<16xi1>
      %reduce_sum3A_452 = tpu.scan <sum>, %add3A_446 masked %reduce_sum3A_451 : vector<16xf32>, vector<16xi1> -> vector<16xf32>
      %reduce_sum3A_453 = vector.extract %reduce_sum3A_452[15] : f32 from vector<16xf32>
      %broadcast_in_dim3A_454 = vector.broadcast %reduce_sum3A_453 : f32 to vector<16xf32>
      %select_n3A_455 = arith.select %eq3A_449, %broadcast_in_dim3A_454, %select_n3A_427 : vector<16xi1>, vector<16xf32>
      %mul3A_456 = arith.constant 16 : i32
      %mul3A_457 = arith.muli %scan3A_374, %mul3A_456 : i32
      %add3A_458 = arith.constant 3 : i32
      %add3A_459 = arith.addi %mul3A_457, %add3A_458 : i32
      %get3A_460 = arith.index_cast %add3A_459 : i32 to index
      %get3A_461 = arith.constant 0 : index
      %get3A_462 = tpu.vector_load %arg8[%get3A_460, %get3A_461] {strides = array<i32>} : memref<512x32xf32, #tpu.memory_space<vmem>>, vector<16xf32>,
      %get3A_463 = arith.index_cast %add3A_459 : i32 to index
      %get3A_464 = arith.constant 0 : index
      %get3A_465 = tpu.vector_load %arg9[%get3A_463, %get3A_464] {strides = array<i32>} : memref<512x32xf32, #tpu.memory_space<vmem>>, vector<16xf32>,
      %mul3A_466 = arith.mulf %get3A_462, %get3A_465 : vector<16xf32>
      %get3A_467 = arith.index_cast %add3A_459 : i32 to index
      %get3A_468 = arith.constant 16 : index
      %get3A_469 = tpu.vector_load %arg8[%get3A_467, %get3A_468] {strides = array<i32>} : memref<512x32xf32, #tpu.memory_space<vmem>>, vector<16xf32>,
      %get3A_470 = arith.index_cast %add3A_459 : i32 to index
      %get3A_471 = arith.constant 16 : index
      %get3A_472 = tpu.vector_load %arg9[%get3A_470, %get3A_471] {strides = array<i32>} : memref<512x32xf32, #tpu.memory_space<vmem>>, vector<16xf32>,
      %mul3A_473 = arith.mulf %get3A_469, %get3A_472 : vector<16xf32>
      %add3A_474 = arith.addf %mul3A_466, %mul3A_473 : vector<16xf32>
      %eq3A_475 = arith.constant 3 : i32
      %eq3A_476 = vector.broadcast %eq3A_475 : i32 to vector<16xi32>
      %eq3A_477 = arith.cmpi eq, %iota3A, %eq3A_476 : vector<16xi32>
      %reduce_sum3A_478 = arith.constant true
      %reduce_sum3A_479 = vector.broadcast %reduce_sum3A_478 : i1 to vector<16xi1>
      %reduce_sum3A_480 = tpu.scan <sum>, %add3A_474 masked %reduce_sum3A_479 : vector<16xf32>, vector<16xi1> -> vector<16xf32>
      %reduce_sum3A_481 = vector.extract %reduce_sum3A_480[15] : f32 from vector<16xf32>
      %broadcast_in_dim3A_482 = vector.broadcast %reduce_sum3A_481 : f32 to vector<16xf32>
      %select_n3A_483 = arith.select %eq3A_477, %broadcast_in_dim3A_482, %select_n3A_455 : vector<16xi1>, vector<16xf32>
      %mul3A_484 = arith.constant 16 : i32
      %mul3A_485 = arith.muli %scan3A_374, %mul3A_484 : i32
      %add3A_486 = arith.constant 4 : i32
      %add3A_487 = arith.addi %mul3A_485, %add3A_486 : i32
      %get3A_488 = arith.index_cast %add3A_487 : i32 to index
      %get3A_489 = arith.constant 0 : index
      %get3A_490 = tpu.vector_load %arg8[%get3A_488, %get3A_489] {strides = array<i32>} : memref<512x32xf32, #tpu.memory_space<vmem>>, vector<16xf32>,
      %get3A_491 = arith.index_cast %add3A_487 : i32 to index
      %get3A_492 = arith.constant 0 : index
      %get3A_493 = tpu.vector_load %arg9[%get3A_491, %get3A_492] {strides = array<i32>} : memref<512x32xf32, #tpu.memory_space<vmem>>, vector<16xf32>,
      %mul3A_494 = arith.mulf %get3A_490, %get3A_493 : vector<16xf32>
      %get3A_495 = arith.index_cast %add3A_487 : i32 to index
      %get3A_496 = arith.constant 16 : index
      %get3A_497 = tpu.vector_load %arg8[%get3A_495, %get3A_496] {strides = array<i32>} : memref<512x32xf32, #tpu.memory_space<vmem>>, vector<16xf32>,
      %get3A_498 = arith.index_cast %add3A_487 : i32 to index
      %get3A_499 = arith.constant 16 : index
      %get3A_500 = tpu.vector_load %arg9[%get3A_498, %get3A_499] {strides = array<i32>} : memref<512x32xf32, #tpu.memory_space<vmem>>, vector<16xf32>,
      %mul3A_501 = arith.mulf %get3A_497, %get3A_500 : vector<16xf32>
      %add3A_502 = arith.addf %mul3A_494, %mul3A_501 : vector<16xf32>
      %eq3A_503 = arith.constant 4 : i32
      %eq3A_504 = vector.broadcast %eq3A_503 : i32 to vector<16xi32>
      %eq3A_505 = arith.cmpi eq, %iota3A, %eq3A_504 : vector<16xi32>
      %reduce_sum3A_506 = arith.constant true
      %reduce_sum3A_507 = vector.broadcast %reduce_sum3A_506 : i1 to vector<16xi1>
      %reduce_sum3A_508 = tpu.scan <sum>, %add3A_502 masked %reduce_sum3A_507 : vector<16xf32>, vector<16xi1> -> vector<16xf32>
      %reduce_sum3A_509 = vector.extract %reduce_sum3A_508[15] : f32 from vector<16xf32>
      %broadcast_in_dim3A_510 = vector.broadcast %reduce_sum3A_509 : f32 to vector<16xf32>
      %select_n3A_511 = arith.select %eq3A_505, %broadcast_in_dim3A_510, %select_n3A_483 : vector<16xi1>, vector<16xf32>
      %mul3A_512 = arith.constant 16 : i32
      %mul3A_513 = arith.muli %scan3A_374, %mul3A_512 : i32
      %add3A_514 = arith.constant 5 : i32
      %add3A_515 = arith.addi %mul3A_513, %add3A_514 : i32
      %get3A_516 = arith.index_cast %add3A_515 : i32 to index
      %get3A_517 = arith.constant 0 : index
      %get3A_518 = tpu.vector_load %arg8[%get3A_516, %get3A_517] {strides = array<i32>} : memref<512x32xf32, #tpu.memory_space<vmem>>, vector<16xf32>,
      %get3A_519 = arith.index_cast %add3A_515 : i32 to index
      %get3A_520 = arith.constant 0 : index
      %get3A_521 = tpu.vector_load %arg9[%get3A_519, %get3A_520] {strides = array<i32>} : memref<512x32xf32, #tpu.memory_space<vmem>>, vector<16xf32>,
      %mul3A_522 = arith.mulf %get3A_518, %get3A_521 : vector<16xf32>
      %get3A_523 = arith.index_cast %add3A_515 : i32 to index
      %get3A_524 = arith.constant 16 : index
      %get3A_525 = tpu.vector_load %arg8[%get3A_523, %get3A_524] {strides = array<i32>} : memref<512x32xf32, #tpu.memory_space<vmem>>, vector<16xf32>,
      %get3A_526 = arith.index_cast %add3A_515 : i32 to index
      %get3A_527 = arith.constant 16 : index
      %get3A_528 = tpu.vector_load %arg9[%get3A_526, %get3A_527] {strides = array<i32>} : memref<512x32xf32, #tpu.memory_space<vmem>>, vector<16xf32>,
      %mul3A_529 = arith.mulf %get3A_525, %get3A_528 : vector<16xf32>
      %add3A_530 = arith.addf %mul3A_522, %mul3A_529 : vector<16xf32>
      %eq3A_531 = arith.constant 5 : i32
      %eq3A_532 = vector.broadcast %eq3A_531 : i32 to vector<16xi32>
      %eq3A_533 = arith.cmpi eq, %iota3A, %eq3A_532 : vector<16xi32>
      %reduce_sum3A_534 = arith.constant true
      %reduce_sum3A_535 = vector.broadcast %reduce_sum3A_534 : i1 to vector<16xi1>
      %reduce_sum3A_536 = tpu.scan <sum>, %add3A_530 masked %reduce_sum3A_535 : vector<16xf32>, vector<16xi1> -> vector<16xf32>
      %reduce_sum3A_537 = vector.extract %reduce_sum3A_536[15] : f32 from vector<16xf32>
      %broadcast_in_dim3A_538 = vector.broadcast %reduce_sum3A_537 : f32 to vector<16xf32>
      %select_n3A_539 = arith.select %eq3A_533, %broadcast_in_dim3A_538, %select_n3A_511 : vector<16xi1>, vector<16xf32>
      %mul3A_540 = arith.constant 16 : i32
      %mul3A_541 = arith.muli %scan3A_374, %mul3A_540 : i32
      %add3A_542 = arith.constant 6 : i32
      %add3A_543 = arith.addi %mul3A_541, %add3A_542 : i32
      %get3A_544 = arith.index_cast %add3A_543 : i32 to index
      %get3A_545 = arith.constant 0 : index
      %get3A_546 = tpu.vector_load %arg8[%get3A_544, %get3A_545] {strides = array<i32>} : memref<512x32xf32, #tpu.memory_space<vmem>>, vector<16xf32>,
      %get3A_547 = arith.index_cast %add3A_543 : i32 to index
      %get3A_548 = arith.constant 0 : index
      %get3A_549 = tpu.vector_load %arg9[%get3A_547, %get3A_548] {strides = array<i32>} : memref<512x32xf32, #tpu.memory_space<vmem>>, vector<16xf32>,
      %mul3A_550 = arith.mulf %get3A_546, %get3A_549 : vector<16xf32>
      %get3A_551 = arith.index_cast %add3A_543 : i32 to index
      %get3A_552 = arith.constant 16 : index
      %get3A_553 = tpu.vector_load %arg8[%get3A_551, %get3A_552] {strides = array<i32>} : memref<512x32xf32, #tpu.memory_space<vmem>>, vector<16xf32>,
      %get3A_554 = arith.index_cast %add3A_543 : i32 to index
      %get3A_555 = arith.constant 16 : index
      %get3A_556 = tpu.vector_load %arg9[%get3A_554, %get3A_555] {strides = array<i32>} : memref<512x32xf32, #tpu.memory_space<vmem>>, vector<16xf32>,
      %mul3A_557 = arith.mulf %get3A_553, %get3A_556 : vector<16xf32>
      %add3A_558 = arith.addf %mul3A_550, %mul3A_557 : vector<16xf32>
      %eq3A_559 = arith.constant 6 : i32
      %eq3A_560 = vector.broadcast %eq3A_559 : i32 to vector<16xi32>
      %eq3A_561 = arith.cmpi eq, %iota3A, %eq3A_560 : vector<16xi32>
      %reduce_sum3A_562 = arith.constant true
      %reduce_sum3A_563 = vector.broadcast %reduce_sum3A_562 : i1 to vector<16xi1>
      %reduce_sum3A_564 = tpu.scan <sum>, %add3A_558 masked %reduce_sum3A_563 : vector<16xf32>, vector<16xi1> -> vector<16xf32>
      %reduce_sum3A_565 = vector.extract %reduce_sum3A_564[15] : f32 from vector<16xf32>
      %broadcast_in_dim3A_566 = vector.broadcast %reduce_sum3A_565 : f32 to vector<16xf32>
      %select_n3A_567 = arith.select %eq3A_561, %broadcast_in_dim3A_566, %select_n3A_539 : vector<16xi1>, vector<16xf32>
      %mul3A_568 = arith.constant 16 : i32
      %mul3A_569 = arith.muli %scan3A_374, %mul3A_568 : i32
      %add3A_570 = arith.constant 7 : i32
      %add3A_571 = arith.addi %mul3A_569, %add3A_570 : i32
      %get3A_572 = arith.index_cast %add3A_571 : i32 to index
      %get3A_573 = arith.constant 0 : index
      %get3A_574 = tpu.vector_load %arg8[%get3A_572, %get3A_573] {strides = array<i32>} : memref<512x32xf32, #tpu.memory_space<vmem>>, vector<16xf32>,
      %get3A_575 = arith.index_cast %add3A_571 : i32 to index
      %get3A_576 = arith.constant 0 : index
      %get3A_577 = tpu.vector_load %arg9[%get3A_575, %get3A_576] {strides = array<i32>} : memref<512x32xf32, #tpu.memory_space<vmem>>, vector<16xf32>,
      %mul3A_578 = arith.mulf %get3A_574, %get3A_577 : vector<16xf32>
      %get3A_579 = arith.index_cast %add3A_571 : i32 to index
      %get3A_580 = arith.constant 16 : index
      %get3A_581 = tpu.vector_load %arg8[%get3A_579, %get3A_580] {strides = array<i32>} : memref<512x32xf32, #tpu.memory_space<vmem>>, vector<16xf32>,
      %get3A_582 = arith.index_cast %add3A_571 : i32 to index
      %get3A_583 = arith.constant 16 : index
      %get3A_584 = tpu.vector_load %arg9[%get3A_582, %get3A_583] {strides = array<i32>} : memref<512x32xf32, #tpu.memory_space<vmem>>, vector<16xf32>,
      %mul3A_585 = arith.mulf %get3A_581, %get3A_584 : vector<16xf32>
      %add3A_586 = arith.addf %mul3A_578, %mul3A_585 : vector<16xf32>
      %eq3A_587 = arith.constant 7 : i32
      %eq3A_588 = vector.broadcast %eq3A_587 : i32 to vector<16xi32>
      %eq3A_589 = arith.cmpi eq, %iota3A, %eq3A_588 : vector<16xi32>
      %reduce_sum3A_590 = arith.constant true
      %reduce_sum3A_591 = vector.broadcast %reduce_sum3A_590 : i1 to vector<16xi1>
      %reduce_sum3A_592 = tpu.scan <sum>, %add3A_586 masked %reduce_sum3A_591 : vector<16xf32>, vector<16xi1> -> vector<16xf32>
      %reduce_sum3A_593 = vector.extract %reduce_sum3A_592[15] : f32 from vector<16xf32>
      %broadcast_in_dim3A_594 = vector.broadcast %reduce_sum3A_593 : f32 to vector<16xf32>
      %select_n3A_595 = arith.select %eq3A_589, %broadcast_in_dim3A_594, %select_n3A_567 : vector<16xi1>, vector<16xf32>
      %mul3A_596 = arith.constant 16 : i32
      %mul3A_597 = arith.muli %scan3A_374, %mul3A_596 : i32
      %add3A_598 = arith.constant 8 : i32
      %add3A_599 = arith.addi %mul3A_597, %add3A_598 : i32
      %get3A_600 = arith.index_cast %add3A_599 : i32 to index
      %get3A_601 = arith.constant 0 : index
      %get3A_602 = tpu.vector_load %arg8[%get3A_600, %get3A_601] {strides = array<i32>} : memref<512x32xf32, #tpu.memory_space<vmem>>, vector<16xf32>,
      %get3A_603 = arith.index_cast %add3A_599 : i32 to index
      %get3A_604 = arith.constant 0 : index
      %get3A_605 = tpu.vector_load %arg9[%get3A_603, %get3A_604] {strides = array<i32>} : memref<512x32xf32, #tpu.memory_space<vmem>>, vector<16xf32>,
      %mul3A_606 = arith.mulf %get3A_602, %get3A_605 : vector<16xf32>
      %get3A_607 = arith.index_cast %add3A_599 : i32 to index
      %get3A_608 = arith.constant 16 : index
      %get3A_609 = tpu.vector_load %arg8[%get3A_607, %get3A_608] {strides = array<i32>} : memref<512x32xf32, #tpu.memory_space<vmem>>, vector<16xf32>,
      %get3A_610 = arith.index_cast %add3A_599 : i32 to index
      %get3A_611 = arith.constant 16 : index
      %get3A_612 = tpu.vector_load %arg9[%get3A_610, %get3A_611] {strides = array<i32>} : memref<512x32xf32, #tpu.memory_space<vmem>>, vector<16xf32>,
      %mul3A_613 = arith.mulf %get3A_609, %get3A_612 : vector<16xf32>
      %add3A_614 = arith.addf %mul3A_606, %mul3A_613 : vector<16xf32>
      %eq3A_615 = arith.constant 8 : i32
      %eq3A_616 = vector.broadcast %eq3A_615 : i32 to vector<16xi32>
      %eq3A_617 = arith.cmpi eq, %iota3A, %eq3A_616 : vector<16xi32>
      %reduce_sum3A_618 = arith.constant true
      %reduce_sum3A_619 = vector.broadcast %reduce_sum3A_618 : i1 to vector<16xi1>
      %reduce_sum3A_620 = tpu.scan <sum>, %add3A_614 masked %reduce_sum3A_619 : vector<16xf32>, vector<16xi1> -> vector<16xf32>
      %reduce_sum3A_621 = vector.extract %reduce_sum3A_620[15] : f32 from vector<16xf32>
      %broadcast_in_dim3A_622 = vector.broadcast %reduce_sum3A_621 : f32 to vector<16xf32>
      %select_n3A_623 = arith.select %eq3A_617, %broadcast_in_dim3A_622, %select_n3A_595 : vector<16xi1>, vector<16xf32>
      %mul3A_624 = arith.constant 16 : i32
      %mul3A_625 = arith.muli %scan3A_374, %mul3A_624 : i32
      %add3A_626 = arith.constant 9 : i32
      %add3A_627 = arith.addi %mul3A_625, %add3A_626 : i32
      %get3A_628 = arith.index_cast %add3A_627 : i32 to index
      %get3A_629 = arith.constant 0 : index
      %get3A_630 = tpu.vector_load %arg8[%get3A_628, %get3A_629] {strides = array<i32>} : memref<512x32xf32, #tpu.memory_space<vmem>>, vector<16xf32>,
      %get3A_631 = arith.index_cast %add3A_627 : i32 to index
      %get3A_632 = arith.constant 0 : index
      %get3A_633 = tpu.vector_load %arg9[%get3A_631, %get3A_632] {strides = array<i32>} : memref<512x32xf32, #tpu.memory_space<vmem>>, vector<16xf32>,
      %mul3A_634 = arith.mulf %get3A_630, %get3A_633 : vector<16xf32>
      %get3A_635 = arith.index_cast %add3A_627 : i32 to index
      %get3A_636 = arith.constant 16 : index
      %get3A_637 = tpu.vector_load %arg8[%get3A_635, %get3A_636] {strides = array<i32>} : memref<512x32xf32, #tpu.memory_space<vmem>>, vector<16xf32>,
      %get3A_638 = arith.index_cast %add3A_627 : i32 to index
      %get3A_639 = arith.constant 16 : index
      %get3A_640 = tpu.vector_load %arg9[%get3A_638, %get3A_639] {strides = array<i32>} : memref<512x32xf32, #tpu.memory_space<vmem>>, vector<16xf32>,
      %mul3A_641 = arith.mulf %get3A_637, %get3A_640 : vector<16xf32>
      %add3A_642 = arith.addf %mul3A_634, %mul3A_641 : vector<16xf32>
      %eq3A_643 = arith.constant 9 : i32
      %eq3A_644 = vector.broadcast %eq3A_643 : i32 to vector<16xi32>
      %eq3A_645 = arith.cmpi eq, %iota3A, %eq3A_644 : vector<16xi32>
      %reduce_sum3A_646 = arith.constant true
      %reduce_sum3A_647 = vector.broadcast %reduce_sum3A_646 : i1 to vector<16xi1>
      %reduce_sum3A_648 = tpu.scan <sum>, %add3A_642 masked %reduce_sum3A_647 : vector<16xf32>, vector<16xi1> -> vector<16xf32>
      %reduce_sum3A_649 = vector.extract %reduce_sum3A_648[15] : f32 from vector<16xf32>
      %broadcast_in_dim3A_650 = vector.broadcast %reduce_sum3A_649 : f32 to vector<16xf32>
      %select_n3A_651 = arith.select %eq3A_645, %broadcast_in_dim3A_650, %select_n3A_623 : vector<16xi1>, vector<16xf32>
      %mul3A_652 = arith.constant 16 : i32
      %mul3A_653 = arith.muli %scan3A_374, %mul3A_652 : i32
      %add3A_654 = arith.constant 10 : i32
      %add3A_655 = arith.addi %mul3A_653, %add3A_654 : i32
      %get3A_656 = arith.index_cast %add3A_655 : i32 to index
      %get3A_657 = arith.constant 0 : index
      %get3A_658 = tpu.vector_load %arg8[%get3A_656, %get3A_657] {strides = array<i32>} : memref<512x32xf32, #tpu.memory_space<vmem>>, vector<16xf32>,
      %get3A_659 = arith.index_cast %add3A_655 : i32 to index
      %get3A_660 = arith.constant 0 : index
      %get3A_661 = tpu.vector_load %arg9[%get3A_659, %get3A_660] {strides = array<i32>} : memref<512x32xf32, #tpu.memory_space<vmem>>, vector<16xf32>,
      %mul3A_662 = arith.mulf %get3A_658, %get3A_661 : vector<16xf32>
      %get3A_663 = arith.index_cast %add3A_655 : i32 to index
      %get3A_664 = arith.constant 16 : index
      %get3A_665 = tpu.vector_load %arg8[%get3A_663, %get3A_664] {strides = array<i32>} : memref<512x32xf32, #tpu.memory_space<vmem>>, vector<16xf32>,
      %get3A_666 = arith.index_cast %add3A_655 : i32 to index
      %get3A_667 = arith.constant 16 : index
      %get3A_668 = tpu.vector_load %arg9[%get3A_666, %get3A_667] {strides = array<i32>} : memref<512x32xf32, #tpu.memory_space<vmem>>, vector<16xf32>,
      %mul3A_669 = arith.mulf %get3A_665, %get3A_668 : vector<16xf32>
      %add3A_670 = arith.addf %mul3A_662, %mul3A_669 : vector<16xf32>
      %eq3A_671 = arith.constant 10 : i32
      %eq3A_672 = vector.broadcast %eq3A_671 : i32 to vector<16xi32>
      %eq3A_673 = arith.cmpi eq, %iota3A, %eq3A_672 : vector<16xi32>
      %reduce_sum3A_674 = arith.constant true
      %reduce_sum3A_675 = vector.broadcast %reduce_sum3A_674 : i1 to vector<16xi1>
      %reduce_sum3A_676 = tpu.scan <sum>, %add3A_670 masked %reduce_sum3A_675 : vector<16xf32>, vector<16xi1> -> vector<16xf32>
      %reduce_sum3A_677 = vector.extract %reduce_sum3A_676[15] : f32 from vector<16xf32>
      %broadcast_in_dim3A_678 = vector.broadcast %reduce_sum3A_677 : f32 to vector<16xf32>
      %select_n3A_679 = arith.select %eq3A_673, %broadcast_in_dim3A_678, %select_n3A_651 : vector<16xi1>, vector<16xf32>
      %mul3A_680 = arith.constant 16 : i32
      %mul3A_681 = arith.muli %scan3A_374, %mul3A_680 : i32
      %add3A_682 = arith.constant 11 : i32
      %add3A_683 = arith.addi %mul3A_681, %add3A_682 : i32
      %get3A_684 = arith.index_cast %add3A_683 : i32 to index
      %get3A_685 = arith.constant 0 : index
      %get3A_686 = tpu.vector_load %arg8[%get3A_684, %get3A_685] {strides = array<i32>} : memref<512x32xf32, #tpu.memory_space<vmem>>, vector<16xf32>,
      %get3A_687 = arith.index_cast %add3A_683 : i32 to index
      %get3A_688 = arith.constant 0 : index
      %get3A_689 = tpu.vector_load %arg9[%get3A_687, %get3A_688] {strides = array<i32>} : memref<512x32xf32, #tpu.memory_space<vmem>>, vector<16xf32>,
      %mul3A_690 = arith.mulf %get3A_686, %get3A_689 : vector<16xf32>
      %get3A_691 = arith.index_cast %add3A_683 : i32 to index
      %get3A_692 = arith.constant 16 : index
      %get3A_693 = tpu.vector_load %arg8[%get3A_691, %get3A_692] {strides = array<i32>} : memref<512x32xf32, #tpu.memory_space<vmem>>, vector<16xf32>,
      %get3A_694 = arith.index_cast %add3A_683 : i32 to index
      %get3A_695 = arith.constant 16 : index
      %get3A_696 = tpu.vector_load %arg9[%get3A_694, %get3A_695] {strides = array<i32>} : memref<512x32xf32, #tpu.memory_space<vmem>>, vector<16xf32>,
      %mul3A_697 = arith.mulf %get3A_693, %get3A_696 : vector<16xf32>
      %add3A_698 = arith.addf %mul3A_690, %mul3A_697 : vector<16xf32>
      %eq3A_699 = arith.constant 11 : i32
      %eq3A_700 = vector.broadcast %eq3A_699 : i32 to vector<16xi32>
      %eq3A_701 = arith.cmpi eq, %iota3A, %eq3A_700 : vector<16xi32>
      %reduce_sum3A_702 = arith.constant true
      %reduce_sum3A_703 = vector.broadcast %reduce_sum3A_702 : i1 to vector<16xi1>
      %reduce_sum3A_704 = tpu.scan <sum>, %add3A_698 masked %reduce_sum3A_703 : vector<16xf32>, vector<16xi1> -> vector<16xf32>
      %reduce_sum3A_705 = vector.extract %reduce_sum3A_704[15] : f32 from vector<16xf32>
      %broadcast_in_dim3A_706 = vector.broadcast %reduce_sum3A_705 : f32 to vector<16xf32>
      %select_n3A_707 = arith.select %eq3A_701, %broadcast_in_dim3A_706, %select_n3A_679 : vector<16xi1>, vector<16xf32>
      %mul3A_708 = arith.constant 16 : i32
      %mul3A_709 = arith.muli %scan3A_374, %mul3A_708 : i32
      %add3A_710 = arith.constant 12 : i32
      %add3A_711 = arith.addi %mul3A_709, %add3A_710 : i32
      %get3A_712 = arith.index_cast %add3A_711 : i32 to index
      %get3A_713 = arith.constant 0 : index
      %get3A_714 = tpu.vector_load %arg8[%get3A_712, %get3A_713] {strides = array<i32>} : memref<512x32xf32, #tpu.memory_space<vmem>>, vector<16xf32>,
      %get3A_715 = arith.index_cast %add3A_711 : i32 to index
      %get3A_716 = arith.constant 0 : index
      %get3A_717 = tpu.vector_load %arg9[%get3A_715, %get3A_716] {strides = array<i32>} : memref<512x32xf32, #tpu.memory_space<vmem>>, vector<16xf32>,
      %mul3A_718 = arith.mulf %get3A_714, %get3A_717 : vector<16xf32>
      %get3A_719 = arith.index_cast %add3A_711 : i32 to index
      %get3A_720 = arith.constant 16 : index
      %get3A_721 = tpu.vector_load %arg8[%get3A_719, %get3A_720] {strides = array<i32>} : memref<512x32xf32, #tpu.memory_space<vmem>>, vector<16xf32>,
      %get3A_722 = arith.index_cast %add3A_711 : i32 to index
      %get3A_723 = arith.constant 16 : index
      %get3A_724 = tpu.vector_load %arg9[%get3A_722, %get3A_723] {strides = array<i32>} : memref<512x32xf32, #tpu.memory_space<vmem>>, vector<16xf32>,
      %mul3A_725 = arith.mulf %get3A_721, %get3A_724 : vector<16xf32>
      %add3A_726 = arith.addf %mul3A_718, %mul3A_725 : vector<16xf32>
      %eq3A_727 = arith.constant 12 : i32
      %eq3A_728 = vector.broadcast %eq3A_727 : i32 to vector<16xi32>
      %eq3A_729 = arith.cmpi eq, %iota3A, %eq3A_728 : vector<16xi32>
      %reduce_sum3A_730 = arith.constant true
      %reduce_sum3A_731 = vector.broadcast %reduce_sum3A_730 : i1 to vector<16xi1>
      %reduce_sum3A_732 = tpu.scan <sum>, %add3A_726 masked %reduce_sum3A_731 : vector<16xf32>, vector<16xi1> -> vector<16xf32>
      %reduce_sum3A_733 = vector.extract %reduce_sum3A_732[15] : f32 from vector<16xf32>
      %broadcast_in_dim3A_734 = vector.broadcast %reduce_sum3A_733 : f32 to vector<16xf32>
      %select_n3A_735 = arith.select %eq3A_729, %broadcast_in_dim3A_734, %select_n3A_707 : vector<16xi1>, vector<16xf32>
      %mul3A_736 = arith.constant 16 : i32
      %mul3A_737 = arith.muli %scan3A_374, %mul3A_736 : i32
      %add3A_738 = arith.constant 13 : i32
      %add3A_739 = arith.addi %mul3A_737, %add3A_738 : i32
      %get3A_740 = arith.index_cast %add3A_739 : i32 to index
      %get3A_741 = arith.constant 0 : index
      %get3A_742 = tpu.vector_load %arg8[%get3A_740, %get3A_741] {strides = array<i32>} : memref<512x32xf32, #tpu.memory_space<vmem>>, vector<16xf32>,
      %get3A_743 = arith.index_cast %add3A_739 : i32 to index
      %get3A_744 = arith.constant 0 : index
      %get3A_745 = tpu.vector_load %arg9[%get3A_743, %get3A_744] {strides = array<i32>} : memref<512x32xf32, #tpu.memory_space<vmem>>, vector<16xf32>,
      %mul3A_746 = arith.mulf %get3A_742, %get3A_745 : vector<16xf32>
      %get3A_747 = arith.index_cast %add3A_739 : i32 to index
      %get3A_748 = arith.constant 16 : index
      %get3A_749 = tpu.vector_load %arg8[%get3A_747, %get3A_748] {strides = array<i32>} : memref<512x32xf32, #tpu.memory_space<vmem>>, vector<16xf32>,
      %get3A_750 = arith.index_cast %add3A_739 : i32 to index
      %get3A_751 = arith.constant 16 : index
      %get3A_752 = tpu.vector_load %arg9[%get3A_750, %get3A_751] {strides = array<i32>} : memref<512x32xf32, #tpu.memory_space<vmem>>, vector<16xf32>,
      %mul3A_753 = arith.mulf %get3A_749, %get3A_752 : vector<16xf32>
      %add3A_754 = arith.addf %mul3A_746, %mul3A_753 : vector<16xf32>
      %eq3A_755 = arith.constant 13 : i32
      %eq3A_756 = vector.broadcast %eq3A_755 : i32 to vector<16xi32>
      %eq3A_757 = arith.cmpi eq, %iota3A, %eq3A_756 : vector<16xi32>
      %reduce_sum3A_758 = arith.constant true
      %reduce_sum3A_759 = vector.broadcast %reduce_sum3A_758 : i1 to vector<16xi1>
      %reduce_sum3A_760 = tpu.scan <sum>, %add3A_754 masked %reduce_sum3A_759 : vector<16xf32>, vector<16xi1> -> vector<16xf32>
      %reduce_sum3A_761 = vector.extract %reduce_sum3A_760[15] : f32 from vector<16xf32>
      %broadcast_in_dim3A_762 = vector.broadcast %reduce_sum3A_761 : f32 to vector<16xf32>
      %select_n3A_763 = arith.select %eq3A_757, %broadcast_in_dim3A_762, %select_n3A_735 : vector<16xi1>, vector<16xf32>
      %mul3A_764 = arith.constant 16 : i32
      %mul3A_765 = arith.muli %scan3A_374, %mul3A_764 : i32
      %add3A_766 = arith.constant 14 : i32
      %add3A_767 = arith.addi %mul3A_765, %add3A_766 : i32
      %get3A_768 = arith.index_cast %add3A_767 : i32 to index
      %get3A_769 = arith.constant 0 : index
      %get3A_770 = tpu.vector_load %arg8[%get3A_768, %get3A_769] {strides = array<i32>} : memref<512x32xf32, #tpu.memory_space<vmem>>, vector<16xf32>,
      %get3A_771 = arith.index_cast %add3A_767 : i32 to index
      %get3A_772 = arith.constant 0 : index
      %get3A_773 = tpu.vector_load %arg9[%get3A_771, %get3A_772] {strides = array<i32>} : memref<512x32xf32, #tpu.memory_space<vmem>>, vector<16xf32>,
      %mul3A_774 = arith.mulf %get3A_770, %get3A_773 : vector<16xf32>
      %get3A_775 = arith.index_cast %add3A_767 : i32 to index
      %get3A_776 = arith.constant 16 : index
      %get3A_777 = tpu.vector_load %arg8[%get3A_775, %get3A_776] {strides = array<i32>} : memref<512x32xf32, #tpu.memory_space<vmem>>, vector<16xf32>,
      %get3A_778 = arith.index_cast %add3A_767 : i32 to index
      %get3A_779 = arith.constant 16 : index
      %get3A_780 = tpu.vector_load %arg9[%get3A_778, %get3A_779] {strides = array<i32>} : memref<512x32xf32, #tpu.memory_space<vmem>>, vector<16xf32>,
      %mul3A_781 = arith.mulf %get3A_777, %get3A_780 : vector<16xf32>
      %add3A_782 = arith.addf %mul3A_774, %mul3A_781 : vector<16xf32>
      %eq3A_783 = arith.constant 14 : i32
      %eq3A_784 = vector.broadcast %eq3A_783 : i32 to vector<16xi32>
      %eq3A_785 = arith.cmpi eq, %iota3A, %eq3A_784 : vector<16xi32>
      %reduce_sum3A_786 = arith.constant true
      %reduce_sum3A_787 = vector.broadcast %reduce_sum3A_786 : i1 to vector<16xi1>
      %reduce_sum3A_788 = tpu.scan <sum>, %add3A_782 masked %reduce_sum3A_787 : vector<16xf32>, vector<16xi1> -> vector<16xf32>
      %reduce_sum3A_789 = vector.extract %reduce_sum3A_788[15] : f32 from vector<16xf32>
      %broadcast_in_dim3A_790 = vector.broadcast %reduce_sum3A_789 : f32 to vector<16xf32>
      %select_n3A_791 = arith.select %eq3A_785, %broadcast_in_dim3A_790, %select_n3A_763 : vector<16xi1>, vector<16xf32>
      %mul3A_792 = arith.constant 16 : i32
      %mul3A_793 = arith.muli %scan3A_374, %mul3A_792 : i32
      %add3A_794 = arith.constant 15 : i32
      %add3A_795 = arith.addi %mul3A_793, %add3A_794 : i32
      %get3A_796 = arith.index_cast %add3A_795 : i32 to index
      %get3A_797 = arith.constant 0 : index
      %get3A_798 = tpu.vector_load %arg8[%get3A_796, %get3A_797] {strides = array<i32>} : memref<512x32xf32, #tpu.memory_space<vmem>>, vector<16xf32>,
      %get3A_799 = arith.index_cast %add3A_795 : i32 to index
      %get3A_800 = arith.constant 0 : index
      %get3A_801 = tpu.vector_load %arg9[%get3A_799, %get3A_800] {strides = array<i32>} : memref<512x32xf32, #tpu.memory_space<vmem>>, vector<16xf32>,
      %mul3A_802 = arith.mulf %get3A_798, %get3A_801 : vector<16xf32>
      %get3A_803 = arith.index_cast %add3A_795 : i32 to index
      %get3A_804 = arith.constant 16 : index
      %get3A_805 = tpu.vector_load %arg8[%get3A_803, %get3A_804] {strides = array<i32>} : memref<512x32xf32, #tpu.memory_space<vmem>>, vector<16xf32>,
      %get3A_806 = arith.index_cast %add3A_795 : i32 to index
      %get3A_807 = arith.constant 16 : index
      %get3A_808 = tpu.vector_load %arg9[%get3A_806, %get3A_807] {strides = array<i32>} : memref<512x32xf32, #tpu.memory_space<vmem>>, vector<16xf32>,
      %mul3A_809 = arith.mulf %get3A_805, %get3A_808 : vector<16xf32>
      %add3A_810 = arith.addf %mul3A_802, %mul3A_809 : vector<16xf32>
      %eq3A_811 = arith.constant 15 : i32
      %eq3A_812 = vector.broadcast %eq3A_811 : i32 to vector<16xi32>
      %eq3A_813 = arith.cmpi eq, %iota3A, %eq3A_812 : vector<16xi32>
      %reduce_sum3A_814 = arith.constant true
      %reduce_sum3A_815 = vector.broadcast %reduce_sum3A_814 : i1 to vector<16xi1>
      %reduce_sum3A_816 = tpu.scan <sum>, %add3A_810 masked %reduce_sum3A_815 : vector<16xf32>, vector<16xi1> -> vector<16xf32>
      %reduce_sum3A_817 = vector.extract %reduce_sum3A_816[15] : f32 from vector<16xf32>
      %broadcast_in_dim3A_818 = vector.broadcast %reduce_sum3A_817 : f32 to vector<16xf32>
      %select_n3A_819 = arith.select %eq3A_813, %broadcast_in_dim3A_818, %select_n3A_791 : vector<16xi1>, vector<16xf32>
      %neg3A = arith.constant 0.000000e+00 : f32
      %neg3A_820 = vector.broadcast %neg3A : f32 to vector<16xf32>
      %neg3A_821 = arith.subf %neg3A_820, %select_n3A_819 : vector<16xf32>
      %exp3A = math.exp %neg3A_821 : vector<16xf32>
      %add3A_822 = arith.constant 1.000000e+00 : f32
      %add3A_823 = vector.broadcast %add3A_822 : f32 to vector<16xf32>
      %add3A_824 = arith.addf %add3A_823, %exp3A : vector<16xf32>
      %div3A = arith.constant 1.000000e+00 : f32
      %div3A_825 = vector.broadcast %div3A : f32 to vector<16xf32>
      %div3A_826 = arith.divf %div3A_825, %add3A_824 : vector<16xf32>
      %mul3A_827 = arith.constant 16 : i32
      %mul3A_828 = arith.muli %scan3A_374, %mul3A_827 : i32
      %swap3A = arith.index_cast %mul3A_828 : i32 to index
      %swap3A_829 = tpu.vector_load %arg10[%swap3A] {strides = array<i32>} : memref<512xf32, #tpu.memory_space<vmem>>, vector<16xf32>,
      tpu.vector_store %arg10[%swap3A], %div3A_826 {strides = array<i32>} : memref<512xf32, #tpu.memory_space<vmem>>, vector<16xf32>,
    }
    %scan3A_373 = arith.constant 32 : i32
    "tpu.region"() ({
      %run_scoped3A = tpu.sem_alloc : memref<!tpu.dma_semaphore, #tpu.memory_space<semaphore_mem>>
      %dma_start3A_374 = tpu.memref_slice %arg5[%mul3A_2] : memref<16384xf32, #tpu.memory_space<hbm>> -> memref<512xf32, #tpu.memory_space<hbm>>
      %dma_start3A_375 = tpu.memref_slice %arg5[%mul3A_2] : memref<16384xf32, #tpu.memory_space<hbm>> -> memref<512xf32, #tpu.memory_space<hbm>>
      tpu.enqueue_dma source(%arg10 : memref<512xf32, #tpu.memory_space<vmem>>) target(%dma_start3A_375 : memref<512xf32, #tpu.memory_space<hbm>>) target_semaphore(%run_scoped3A : memref<!tpu.dma_semaphore, #tpu.memory_space<semaphore_mem>>)
      %dma_wait3A_376 = tpu.memref_slice %arg5[%mul3A_2] : memref<16384xf32, #tpu.memory_space<hbm>> -> memref<512xf32, #tpu.memory_space<hbm>>
      %dma_wait3A_377 = tpu.memref_slice %arg5[%mul3A_2] : memref<16384xf32, #tpu.memory_space<hbm>> -> memref<512xf32, #tpu.memory_space<hbm>>
      tpu.wait_dma2 semaphore(%run_scoped3A : memref<!tpu.dma_semaphore, #tpu.memory_space<semaphore_mem>>) src(%arg10 : memref<512xf32, #tpu.memory_space<vmem>>) dst(%dma_wait3A_377 : memref<512xf32, #tpu.memory_space<hbm>>)
      tpu.yield
    }) : () -> ()
    return
  }
}

</mosaic_0001>

<sc_bundles>
// kernel: kernel.4.cloned.1.call-start
scs
__scs_entry_jumppad:
0x0: {  	(pc) =	sbr.rel $0x88, $3  }
0x1: {  	(tag) =	ssettag $0x0;
	lr =	simm.s32 $0x1  }
0x2: {  	[smem:$0x3F9E] =	sst lr;
	_ =	strace $0xD0000000  }
0x3: {  	_ = 	snop  }
0x4: {  	_ = 	snop  }
0x5: {  	_ = 	snop  }
0x6: {  	_ = 	snop  }
0x7: {  	_ = 	snop  }
__scs_overlays_trampoline_lowered:
0x8: {  	[smem:$0x3FAD] =	sst s0  }
0x9: {  	[smem:$0x3FAE] =	sst s1  }
0xa: {  	[smem:$0x3FAF] =	sst s2  }
0xb: {  	[smem:$0x3FB0] =	sst s3  }
0xc: {  	[smem:$0x3FB1] =	sst s4  }
0xd: {  	[smem:$0x3FB2] =	sst s5  }
0xe: {  	[smem:$0x3FB3] =	sst s6  }
0xf: {  	[smem:$0x3FB4] =	sst s7  }
0x10: {  	[smem:$0x3FB5] =	sst s8  }
0x11: {  	[smem:$0x3FB6] =	sst s9;
	s0 =	simm.s32 @!p0 $0x0  }
0x12: {  	s1 =	sld [smem:$0x3F9C];
	s0 =	simm.s32 @p0 $0x1  }
0x13: {  	[smem:$0x3FB7] =	sst s0;
	s0 =	simm.s32 @!p1 $0x0  }
0x14: {  	s2 =	sld [smem:$0x3F9B];
	s0 =	simm.s32 @p1 $0x1  }
0x15: {  	[smem:$0x3FB8] =	sst s0;
	s0 =	simm.s32 @!p2 $0x0  }
0x16: {  	s3 =	sld [smem:$0x3FDB];
	s0 =	simm.s32 @p2 $0x1  }
0x17: {  	s4 =	simm.s32 $0x1BF5;
	[smem:$0x3FBA] =	sst s0  }
0x18: {  	s0 =	sld [smem:$0x3F9D];
	_ =	swait.ge [sflag:s4], $0x0  }
0x19: {  	s7 =	sld [smem:$0x3F9E]  }
0x1a: {  	s8 =	sadd.s32 $0xFFFFE003, lr  }
0x1b: {  	s9 =	sadd.s32 $0xFFFFFEF7, lr;
	s5 =	simm.s32 $0xFFFFFFFF;
	p2 =	slt.u32 s8, $0xFFFFF086  }
0x1c: {  	p1 =	slt.u32 s9, $0xF7A;
	s5 =	simm.s32 @!p2 $0x0  }
0x1d: {  	s5 =	simm.s32 @p1 $0x1;
	p0 =	seq.s32 s7, s2  }
0x1e: {  	s7 =	smul.u32 @!p0 $0xF7A, s2;
	p2 =	seq.s32 @!p0 s5, $0x0  }
0x1f: {  	s9 =	smul.u32 $0xF7A, s1;
	s8 =	simm.s32 @!p0 $0x1BF5;
	p2 =	por !p2, p0  }
0x20: {  	[sflag:s8] =	ssyncset.s32 @!p0 $0xFFFFF086;
	s6 =	sadd.s32 @!p0 s3, s7;
	s7 =	simm.s32 @!p0 $0x108  }
0x21: {  	s3 =	sadd.s32 s3, s9;
	s6 =	sadd.s32 @!p0 $0x88, s6;
	s7 =	simm.s32 @p2 $0x1082  }
0x22: {  	[simem:s7], [sflag:s8] =	dma.local @!p0 [hbm:s6], $0xF7A  }
0x23: {  	s9 =	sor.u32 $0xD0000000, s2;
	s6 =	simm.s32 $0x108;
	_ =	swait.ge @!p0 [sflag:s8], $0x0  }
0x24: {  	s3 =	sadd.s32 $0x88, s3;
	s6 =	simm.s32 @!p1 $0x1082;
	[sflag:s4] =	ssyncset.s32 $0xFFFFF086  }
0x25: {  	[simem:s6], [sflag:s4] =	dma.local [hbm:s3], $0xF7A  }
0x26: {  	[smem:$0x3F9E] =	sst s1;
	(tag) =	ssettag s2;
	_ =	strace s9  }
0x27: {  	s1 =	sld [smem:$0x3FAE]  }
0x28: {  	s2 =	sld [smem:$0x3FAF]  }
0x29: {  	s4 =	sld [smem:$0x3FB1]  }
0x2a: {  	p0 =	seq.s32 s5, $0x0;
	s5 =	sld [smem:$0x3FB2]  }
0x2b: {  	s6 =	sld [smem:$0x3FB3]  }
0x2c: {  	s7 =	sld [smem:$0x3FB4]  }
0x2d: {  	s3 =	simm.s32 $0x108;
	s8 =	sld [smem:$0x3FB5]  }
0x2e: {  	s3 =	simm.s32 @!p0 $0x1082;
	s9 =	sld [smem:$0x3FB6]  }
0x2f: {  	lr =	sadd.s32 s0, s3;
	s0 =	sld [smem:$0x3FAD]  }
0x30: {  	s3 =	sld [smem:$0x3FB0]  }
0x31: {  	[smem:$0x3FB9] =	sst s10  }
0x32: {  	s10 =	sld [smem:$0x3FB7];
	_ =	sdelay $0x3  }
0x33: {  	p0 =	seq.s32 s10, $0x1;
	s10 =	sld [smem:$0x3FB9];
	_ =	sdelay $0x3  }
0x34: {  	[smem:$0x3FB9] =	sst s10  }
0x35: {  	s10 =	sld [smem:$0x3FB8];
	_ =	sdelay $0x3  }
0x36: {  	p1 =	seq.s32 s10, $0x1;
	s10 =	sld [smem:$0x3FB9];
	_ =	sdelay $0x3  }
0x37: {  	[smem:$0x3FB9] =	sst s10  }
0x38: {  	s10 =	sld [smem:$0x3FBA]  }
0x39: {  	_ = 	snop;
	(pc) =	sbr.ind lr, $3  }
0x3a: {  	_ = 	snop  }
0x3b: {  	_ = 	snop  }
0x3c: {  	p2 =	seq.s32 s10, $0x1;
	s10 =	sld [smem:$0x3FB9]  }
0x3d: {  	_ =	shalt  }
0x3e: {  	_ =	shalt  }
0x3f: {  	_ =	shalt  }
0x40: {  	_ =	shalt  }
0x41: {  	_ =	shalt  }
0x42: {  	_ =	shalt  }
0x43: {  	_ =	shalt  }
0x44: {  	_ =	shalt  }
0x45: {  	_ =	shalt  }
0x46: {  	_ =	shalt  }
0x47: {  	_ =	shalt  }
0x48: {  	_ =	shalt  }
0x49: {  	_ =	shalt  }
0x4a: {  	_ =	shalt  }
0x4b: {  	_ =	shalt  }
0x4c: {  	_ =	shalt  }
0x4d: {  	_ =	shalt  }
0x4e: {  	_ =	shalt  }
0x4f: {  	_ =	shalt  }
0x50: {  	_ =	shalt  }
0x51: {  	_ =	shalt  }
0x52: {  	_ =	shalt  }
0x53: {  	_ =	shalt  }
0x54: {  	_ =	shalt  }
0x55: {  	_ =	shalt  }
0x56: {  	_ =	shalt  }
0x57: {  	_ =	shalt  }
0x58: {  	_ =	shalt  }
0x59: {  	_ =	shalt  }
0x5a: {  	_ =	shalt  }
0x5b: {  	_ =	shalt  }
0x5c: {  	_ =	shalt  }
0x5d: {  	_ =	shalt  }
0x5e: {  	_ =	shalt  }
0x5f: {  	_ =	shalt  }
0x60: {  	_ =	shalt  }
0x61: {  	_ =	shalt  }
0x62: {  	_ =	shalt  }
0x63: {  	_ =	shalt  }
0x64: {  	_ =	shalt  }
0x65: {  	_ =	shalt  }
0x66: {  	_ =	shalt  }
0x67: {  	_ =	shalt  }
0x68: {  	_ =	shalt  }
0x69: {  	_ =	shalt  }
0x6a: {  	_ =	shalt  }
0x6b: {  	_ =	shalt  }
0x6c: {  	_ =	shalt  }
0x6d: {  	_ =	shalt  }
0x6e: {  	_ =	shalt  }
0x6f: {  	_ =	shalt  }
0x70: {  	_ =	shalt  }
0x71: {  	_ =	shalt  }
0x72: {  	_ =	shalt  }
0x73: {  	_ =	shalt  }
0x74: {  	_ =	shalt  }
0x75: {  	_ =	shalt  }
0x76: {  	_ =	shalt  }
0x77: {  	_ =	shalt  }
0x78: {  	_ =	shalt  }
0x79: {  	_ =	shalt  }
0x7a: {  	_ =	shalt  }
0x7b: {  	_ =	shalt  }
0x7c: {  	_ =	shalt  }
0x7d: {  	_ =	shalt  }
0x7e: {  	_ =	shalt  }
0x7f: {  	_ =	shalt  }
0x80: {  	_ =	shalt  }
0x81: {  	_ =	shalt  }
0x82: {  	_ =	shalt  }
0x83: {  	_ =	shalt  }
0x84: {  	_ =	shalt  }
0x85: {  	_ =	shalt  }
0x86: {  	_ =	shalt  }
0x87: {  	_ =	shalt  }
.Lfunc_end0:
.L_simem_size_0:
called_computation_lowered:
.L_overlay_start_0:
0x88: {  	s2 =	sld [smem:$0x3FD9]  }
0x89: {  	s3 =	sld [smem:$0x3FFE];
	_ =	sdelay $0x1  }
0x8a: {  	s1 =	srdreg.scid  }
0x8b: {  	s0 =	sand.u32 $0x1, s1  }
0x8c: {  	s17 =	sshll.u32 s0, $0xA;
	s2 =	sadd.s32 s3, s2  }
0x8d: {  	s2 =	sadd.s32 s2, s17  }
0x8e: {  	[smem:$0x3FC5] =	sst s2  }
0x8f: {  	_ = 	snop  }
0x90: {  	s2 =	sld [smem:$0x3FD0];
	(tm) =	ssettm $0x1  }
0x91: {  	s18 =	sld [smem:$0x3FFB];
	_ =	sdelay $0x3  }
0x92: {  	_ =	strace s18  }
0x93: {  	s3 =	sld [smem:$0x3FFC];
	_ =	sdelay $0x3  }
0x94: {  	_ =	strace s3  }
0x95: {  	s3 =	sld [smem:$0x3FFD];
	_ =	sdelay $0x3  }
0x96: {  	_ =	strace s3  }
0x97: {  	_ =	strace $0x8FFFFFFF  }
0x98: {  	s19 =	sld [smem:$0x3FDB];
	_ =	sdelay $0x1  }
0x99: {  	s4 =	simm.s32 $_scs_section_size  }
0x9a: {  	s5 =	simm.s32 $_size__tile_overlayer_lowered;
	s6 =	simm.s32 $_tile_overlayer_lowered  }
0x9b: {  	s22 =	simm.s32 $0x1BFF;
	s21 =	sshll.u32 s6, $0x1;
	s3 =	sadd.s32 s4, s19  }
0x9c: {  	s7 =	simm.s32 $0x0;
	s20 =	sshll.u32 s5, $0x1;
	s5 =	sadd.s32 s21, s3  }
0x9d: {  	[timem:s7], [sflag:s22] =	dma.local [hbm:s5], s20  }
0x9e: {  	_ =	swait.ge [sflag:s22], s20  }
0x9f: {  	s4 =	ssub.s32 $0x0, s20;
	[sflag:s22] =	ssyncset.done $0x0  }
0xa0: {  	[sflag:s22] =	ssyncadd.s32 s4;
	_ =	sdelay $0x1  }
0xa1: {  	s23 =	simm.s32 $0x1B8B  }
0xa2: {  	_ =	swait.ge [sflag:s23], $0x1  }
0xa3: {  	[sflag:s23] =	ssyncset.done $0x0  }
0xa4: {  	s25 =	simm.s32 $0x1B8E;
	s24 =	sld [smem:$0x3FFE];
	[sflag:s23] =	ssyncadd.s32 $0xFFFFFFFF  }
0xa5: {  	s26 =	simm.s32 $execute0_lowered;
	[smem:$0x3FD2] =	sst s25  }
0xa6: {  	s5 =	sshll.u32 s26, $0x1;
	_ =	strace $0x80000046;
	[dreg:$0x1] =	wrdreg $0xFFFFFFFF  }
0xa7: {  	s28 =	simm.s32 $_size_execute0_lowered;
	s3 =	sadd.s32 s3, s5;
	[dreg:$0x0] =	wrdreg $0x0  }
0xa8: {  	s5 =	sshll.u32 s28, $0x1;
	[dreg:$0x2] =	wrdreg s3  }
0xa9: {  	[dreg:$0x3] =	wrdreg s5  }
0xaa: {  	[dreg:$0x4] =	wrdreg $0xC0  }
0xab: {  	_ =	task [dreg:s7], $0x5FFFF  }
0xac: {  	[dreg:$0x1] =	wrdreg $0xFFFFFFFF  }
0xad: {  	[dreg:$0x0] =	wrdreg $0x60  }
0xae: {  	[dreg:$0x2] =	wrdreg s24  }
0xaf: {  	[dreg:$0x3] =	wrdreg s2  }
0xb0: {  	[dreg:$0x4] =	wrdreg $0x9  }
0xb1: {  	_ =	task.clear_ibuf [dreg:s7], $0x5FFFF;
	_ =	strace $0x90000046  }
0xb2: {  	s29 =	simm.s32 $0x9;
	_ =	strace $0x80000048  }
0xb3: {  	_ =	swait.ge [sflag:s29], $0x1  }
0xb4: {  	[sflag:s29] =	ssyncadd.s32 $0xFFFFFFFF  }
0xb5: {  	_ =	strace $0x90000048  }
0xb6: {  	_ =	sfence  }
0xb7: {  	s30 =	sld [smem:$0x0];
	_ =	sdelay $0x2  }
0xb8: {  	s31 =	sshll.u32 s1, $0xD;
	s1 =	sshrl.u32 s1, $0x2  }
0xb9: {  	s3 =	sand.u32 $0x4000, s31;
	s1 =	sadd.s32 s1, s30  }
0xba: {  	s0 =	sor.u32 s3, s0;
	s1 =	sshll.u32 s1, $0x11  }
0xbb: {  	s0 =	sor.u32 s1, s0  }
0xbc: {  	s0 =	sadd.s32 $0x8F2B, s0  }
0xbd: {  	[sflag:s0] =	ssyncadd.remote.s32 $0x1  }
0xbe: {  	_ =	sfence.sel $0xFFFF  }
0xbf: {  	[dreg:$0x0] =	wrdreg $0xFFFFFFFF;
	(pc) =	sbr.abs _section_cstart, $3  }
0xc0: {  	[dreg:$0x1] =	wrdreg $0xFFFFFFFF  }
0xc1: {  	_ =	task.clear_ibuf [dreg:s7], $0x2FFFF;
	_ =	strace $0x9FFFFFFF  }
0xc2: {  	(tm) =	ssettm $0x7FFFFFFF  }
0xc3: {  	_ =	shalt  }
tec
execute0_lowered:
.L_overlay_start_1:
0x0: {  	(tag) =	ssettag $0x1  }
0x1: {  	s0 =	srdreg.scid  }
0x2: {  	s3 =	sand.u32 $0x1, s0;
	s0 =	stileid.u32  }
0x3: {  	s4 =	sshll.u32 s0, $0x1;
	s6 =	ssub.s32 $0x0, s3  }
0x4: {  	p0 =	sne.s32 s4, s6  }
.Ltmp0:
0x5: {  	_ = 	snop;
	(pc) =	sbr.rel @p0 .LBB2_3-.Ltmp0, $4  }
0x6: {  	_ = 	snop  }
0x7: {  	s5 =	rddreg [dreg:$0x0]  }
0x8: {  	s2 =	rddreg [dreg:$0x1]  }
0x9: {  	s1 =	rddreg [dreg:$0x2];
	_ =	strace $0x80000047  }
0xa: {  	v0 =	vimm.s32 $0x98765432  }
0xb: {  	v0 =	vunpack.c.l.s4.s8 v0;
	_ =	sdelay $0x1  }
0xc: {  	s4 =	ssub.s32 $0x2, s3;
	v0 =	vunpack.c.0.s8.s32 v0  }
0xd: {  	s3 =	sadd.s32 $0x62200, s5;
	s7 =	simm.s32 $0x0;
	s8 =	simm.s32 $0x210  }
0xe: {  	vm0 =	vcmask $0x1F00;
	s9 =	simm.s32 $0x1;
	s10 =	simm.s32 $0x10;
	s6 =	sshrl.u32 s4, $0x1;
	v0 =	vand.u32 $0xF, v0  }
0xf: {  	s11 =	simm.s32 $0x310;
	s12 =	simm.s32 $0x2;
	s6 =	ssub.s32 s4, s6;
	v0 =	vnsel vm0, $0xB, v0;
	vm0 =	vcmask $0x2320  }
0x10: {  	s4 =	sadd.s32 $0x600, s5;
	s5 =	sadd.s32 $0x62400, s5;
	s6 =	smax.u32 s6, $0x1;
	v0 =	vsel vm0, $0xA, v0;
	vm0 =	vmmov $0xffff  }
.LBB2_2:
0x11: {  	[tilespmem:s7], [sflag:$0x1] =	stream.linear.gather [hbm4b:s3+s7], $0x10, $0x38;
	[tilespmem:$0x320] =	vst v63  }
0x12: {  	_ = 	snop  }
0x13: {  	[tilespmem:s8], [sflag:$0x1] =	stream.linear.gather [hbm4b:s2+s7], $0x100, $0x38;
	[tilespmem:$0x320] =	vst v63  }
0x14: {  	_ =	swait.ge [sflag:s9], $0x10  }
0x15: {  	[sflag:s9] =	ssyncset.done $0x0  }
0x16: {  	[sflag:s9] =	ssyncadd.s32 $0xFFFFFFF0  }
0x17: {  	v1 =	vld.idx.msk [tilespmem:v0+s7+$0x0], $0xffff;
	_ =	sdelay $0x7  }
0x18: {  	[tilespmem:s10], [sflag:$0x1] =	stream.indirect_vreg.gather [hbm4b:s4+s7], $0x20, v1, vm0, $0xb8;
	[tilespmem:$0x320] =	vst v63  }
0x19: {  	_ =	swait.ge [sflag:s9], $0x200  }
0x1a: {  	[sflag:s9] =	ssyncset.done $0x0  }
0x1b: {  	[sflag:s9] =	ssyncadd.s32 $0xFFFFFE00  }
0x1c: {  	_ =	swait.ge [sflag:s9], $0x100  }
0x1d: {  	[sflag:s9] =	ssyncset.done $0x0  }
0x1e: {  	[sflag:s9] =	ssyncadd.s32 $0xFFFFFF00  }
0x1f: {  	v1 =	vld [tilespmem:$0x10]  }
0x20: {  	v2 =	vld [tilespmem:$0x20]  }
0x21: {  	v3 =	vld [tilespmem:$0x30]  }
0x22: {  	v4 =	vld [tilespmem:$0x40]  }
0x23: {  	v5 =	vld [tilespmem:$0x50]  }
0x24: {  	v6 =	vld [tilespmem:$0x60]  }
0x25: {  	v7 =	vld [tilespmem:$0x70]  }
0x26: {  	v8 =	vld [tilespmem:$0x80];
	v1 =	vadd.f32 $0.0e+00, v1;
	v2 =	vadd.f32 $0.0e+00, v2  }
0x27: {  	v9 =	vld [tilespmem:$0x90]  }
0x28: {  	v34 =	vld [tilespmem:$0xB0];
	v1 =	vadd.f32 v3, v1;
	v2 =	vadd.f32 v4, v2  }
0x29: {  	v3 =	vld [tilespmem:$0xA0]  }
0x2a: {  	v35 =	vld [tilespmem:$0xC0];
	v1 =	vadd.f32 v5, v1;
	v2 =	vadd.f32 v6, v2  }
0x2b: {  	v36 =	vld [tilespmem:$0xD0]  }
0x2c: {  	v37 =	vld [tilespmem:$0xE0];
	v1 =	vadd.f32 v7, v1;
	v2 =	vadd.f32 v8, v2  }
0x2d: {  	v38 =	vld [tilespmem:$0xF0]  }
0x2e: {  	v39 =	vld [tilespmem:$0x110];
	v1 =	vadd.f32 v9, v1;
	v2 =	vadd.f32 v3, v2  }
0x2f: {  	v3 =	vld [tilespmem:$0x100]  }
0x30: {  	v40 =	vld [tilespmem:$0x120];
	v1 =	vadd.f32 v34, v1;
	v2 =	vadd.f32 v35, v2  }
0x31: {  	v41 =	vld [tilespmem:$0x130]  }
0x32: {  	v42 =	vld [tilespmem:$0x140];
	v1 =	vadd.f32 v36, v1;
	v2 =	vadd.f32 v37, v2  }
0x33: {  	v43 =	vld [tilespmem:$0x210]  }
0x34: {  	v44 =	vld [tilespmem:$0x230];
	v1 =	vadd.f32 v38, v1;
	v2 =	vadd.f32 v3, v2  }
0x35: {  	v3 =	vld [tilespmem:$0x220]  }
0x36: {  	v45 =	vld [tilespmem:$0x240];
	v1 =	vadd.f32 v39, v1;
	v2 =	vadd.f32 v40, v2;
	_ =	sdelay $0x1  }
0x37: {  	v46 =	vld [tilespmem:$0x250];
	v1 =	vadd.f32 v41, v1;
	v2 =	vadd.f32 v42, v2  }
0x38: {  	v47 =	vld [tilespmem:$0x260]  }
0x39: {  	v7 =	vmul.f32 v43, v1;
	v3 =	vmul.f32 v3, v2  }
0x3a: {  	v48 =	vld [tilespmem:$0x270];
	v8 =	vmul.f32 v44, v1;
	v4 =	vmul.f32 v45, v2  }
0x3b: {  	v49 =	vld [tilespmem:$0x280];
	v3 =	vadd.f32 v3, v7  }
0x3c: {  	v4 =	vadd.f32 v4, v8  }
0x3d: {  	v51 =	vld [tilespmem:$0x290];
	v50 =	vmul.f32 v47, v2;
	(xrf2) =	vadd.scan.msk.f32 $0xffff, v3;
	v3 =	vmul.f32 v46, v1  }
0x3e: {  	v52 =	vld [tilespmem:$0x2A0];
	(xrf2) =	vadd.scan.msk.f32 $0xffff, v4  }
0x3f: {  	v3 =	vadd.f32 v50, v3  }
0x40: {  	v54 =	vld [tilespmem:$0x2B0];
	v53 =	vmul.f32 v48, v1;
	v7 =	vmul.f32 v49, v2  }
0x41: {  	(xrf2) =	vadd.scan.msk.f32 $0xffff, v3;
	v3 =	vld [tilespmem:$0x2C0]  }
0x42: {  	v55 =	vld [tilespmem:$0x2D0];
	v5 =	vadd.f32 v7, v53  }
0x43: {  	v56 =	vld [tilespmem:$0x2E0];
	v6 =	vmul.f32 v51, v1;
	v4 =	vmul.f32 v52, v2  }
0x44: {  	(xrf2) =	vadd.scan.msk.f32 $0xffff, v5  }
0x45: {  	v58 =	vld [tilespmem:$0x2F0];
	v4 =	vadd.f32 v4, v6  }
0x46: {  	v60 =	vld [tilespmem:$0x300];
	v57 =	vmul.f32 v54, v1;
	v3 =	vmul.f32 v3, v2  }
0x47: {  	v62 =	vmul.f32 v55, v1;
	v59, _, _ =	vpop (xrf2);
	(xrf2) =	vadd.scan.msk.f32 $0xffff, v4  }
0x48: {  	v5 =	vmul.f32 v56, v2;
	(v2sf) =	vpush v59, $0xF;
	v3 =	vadd.f32 v3, v57;
	v61, _, _ =	vpop (xrf2)  }
0x49: {  	(v2sf) =	vpush v61, $0xF  }
0x4a: {  	(xrf2) =	vadd.scan.msk.f32 $0xffff, v3;
	v3 =	vadd.f32 v5, v62  }
0x4b: {  	v1 =	vmul.f32 v58, v1;
	v2 =	vmul.f32 v60, v2;
	v63, _, _ =	vpop (xrf2)  }
0x4c: {  	(v2sf) =	vpush v63, $0xF  }
0x4d: {  	v1 =	vadd.f32 v2, v1;
	(xrf2) =	vadd.scan.msk.f32 $0xffff, v3  }
0x4e: {  	v3, _, _ =	vpop (xrf2)  }
0x4f: {  	(v2sf) =	vpush v3, $0xF  }
0x50: {  	(xrf2) =	vadd.scan.msk.f32 $0xffff, v1  }
0x51: {  	v1, _, _ =	vpop (xrf2)  }
0x52: {  	(v2sf) =	vpush v1, $0xF;
	_ =	sdelay $0x1  }
0x53: {  	v1, _, _ =	vpop (xrf2)  }
0x54: {  	(v2sf) =	vpush v1, $0xF;
	_ =	sdelay $0x1  }
0x55: {  	v1, _, _ =	vpop (xrf2);
	s13 =	spop (v2sf)  }
0x56: {  	(v2sf) =	vpush v1, $0xF;
	s14 =	spop (v2sf)  }
0x57: {  	p0 =	sgt.f32 s14, s13  }
0x58: {  	v1, _, _ =	vpop (xrf2)  }
0x59: {  	(v2sf) =	vpush v1, $0xF;
	s13 =	smov.u32 @p0 s14;
	s14 =	spop (v2sf)  }
0x5a: {  	p1 =	sgt.f32 s14, s13;
	_ =	sdelay $0x1  }
0x5b: {  	s15 =	spop (v2sf);
	s13 =	smov.u32 @p1 s14  }
0x5c: {  	p2 =	sgt.f32 s15, s13;
	_ =	sdelay $0x1  }
0x5d: {  	s14 =	spop (v2sf);
	s13 =	smov.u32 @p2 s15  }
0x5e: {  	p3 =	sgt.f32 s14, s13;
	_ =	sdelay $0x1  }
0x5f: {  	s15 =	spop (v2sf);
	s13 =	smov.u32 @p3 s14;
	s14 =	simm.s32 $0x1  }
0x60: {  	s14 =	simm.s32 @!p0 $0x0;
	p0 =	sgt.f32 s15, s13;
	_ =	sdelay $0x1  }
0x61: {  	s13 =	smov.u32 @p0 s15;
	s15 =	spop (v2sf)  }
0x62: {  	s14 =	simm.s32 @p1 $0x2;
	p1 =	sgt.f32 s15, s13  }
0x63: {  	s14 =	simm.s32 @p2 $0x3  }
0x64: {  	s14 =	simm.s32 @p3 $0x4;
	s31 =	spop (v2sf);
	s13 =	smov.u32 @p1 s15  }
0x65: {  	s14 =	simm.s32 @p0 $0x5;
	p0 =	sgt.f32 s31, s13  }
0x66: {  	s14 =	simm.s32 @p1 $0x6  }
0x67: {  	s14 =	simm.s32 @p0 $0x7  }
0x68: {  	p0 =	sne.s32 s6, $0x1;
	v1 =	vmov s14  }
.Ltmp1:
0x69: {  	[tilespmem:$0x310] =	vst v1;
	(pc) =	sbr.rel @p0 .LBB2_2-.Ltmp1, $4  }
0x6a: {  	[hbm4b:s5+s7] =	stream.linear.scatter [tilespmem:s11], [sflag:$0x2], $0x10, $0x38;
	[tilespmem:$0x320] =	vst v63  }
0x6b: {  	_ =	swait.ge [sflag:s12], $0x10  }
0x6c: {  	[sflag:s12] =	ssyncset.done $0x0  }
0x6d: {  	s6 =	sadd.s32 $0xFFFFFFFF, s6;
	[sflag:s12] =	ssyncadd.s32 $0xFFFFFFF0  }
.LBB2_3:
0x6e: {  	_ =	sfence.sel $0x180000  }
0x6f: {  	[bflag:$0x0] =	sbarrier.arrive $0xFFFF  }
0x70: {  	p0 =	sne.s32 s0, $0x0;
	_ =	strace $0x90000047  }
0x71: {  	s0 =	sadd.s32 @!p0 $0x100000, s1;
	[bflag:$0x2] =	sbarrier.arrive $0xFFFF  }
0x72: {  	[sflag:s0] =	ssyncadd.tile.s32 @!p0 $0x1;
	_ =	shalt  }
.Lfunc_end2:
_tile_overlayer_lowered:
.L_overlay_start_2:
0x73: {  	(tag) =	ssettag $0x2  }
0x74: {  	s0 =	rddreg [dreg:$0x0];
	s2 =	stileid.u32  }
0x75: {  	s1 =	rddreg [dreg:$0x1];
	p0 =	sne.s32 s2, $0x0  }
0x76: {  	s3 =	rddreg [dreg:$0x2];
	[bflag:$0x3] =	sbarrier.arrive $0xFFFF;
	s2 =	simm.s32 @!p0 $0x1C02  }
0x77: {  	[timem:s3], [sflag:s2] =	dma.local @!p0 [hbm:s0], s1  }
0x78: {  	s0 =	simm.s32 @!p0 $0x2  }
0x79: {  	_ =	swait.ge @!p0 [sflag:s0], s1  }
0x7a: {  	s1 =	ssub.s32 @!p0 $0x0, s1;
	[sflag:s0] =	ssyncset.done @!p0 $0x0  }
0x7b: {  	[sflag:s0] =	ssyncadd.s32 @!p0 s1  }
0x7c: {  	[bflag:$0x3] =	sbarrier.arrive $0xFFFF  }
0x7d: {  	_ =	shalt  }

// kernel: kernel.7.cloned.1.call-start
scs
__scs_entry_jumppad:
0x0: {  	(pc) =	sbr.rel $0x88, $3  }
0x1: {  	(tag) =	ssettag $0x0;
	lr =	simm.s32 $0x1  }
0x2: {  	[smem:$0x3F9E] =	sst lr;
	_ =	strace $0xD0000000  }
0x3: {  	_ = 	snop  }
0x4: {  	_ = 	snop  }
0x5: {  	_ = 	snop  }
0x6: {  	_ = 	snop  }
0x7: {  	_ = 	snop  }
__scs_overlays_trampoline_lowered:
0x8: {  	[smem:$0x3FAD] =	sst s0  }
0x9: {  	[smem:$0x3FAE] =	sst s1  }
0xa: {  	[smem:$0x3FAF] =	sst s2  }
0xb: {  	[smem:$0x3FB0] =	sst s3  }
0xc: {  	[smem:$0x3FB1] =	sst s4  }
0xd: {  	[smem:$0x3FB2] =	sst s5  }
0xe: {  	[smem:$0x3FB3] =	sst s6  }
0xf: {  	[smem:$0x3FB4] =	sst s7  }
0x10: {  	[smem:$0x3FB5] =	sst s8  }
0x11: {  	[smem:$0x3FB6] =	sst s9;
	s0 =	simm.s32 @!p0 $0x0  }
0x12: {  	s1 =	sld [smem:$0x3F9C];
	s0 =	simm.s32 @p0 $0x1  }
0x13: {  	[smem:$0x3FB7] =	sst s0;
	s0 =	simm.s32 @!p1 $0x0  }
0x14: {  	s2 =	sld [smem:$0x3F9B];
	s0 =	simm.s32 @p1 $0x1  }
0x15: {  	[smem:$0x3FB8] =	sst s0;
	s0 =	simm.s32 @!p2 $0x0  }
0x16: {  	s3 =	sld [smem:$0x3FDB];
	s0 =	simm.s32 @p2 $0x1  }
0x17: {  	s4 =	simm.s32 $0x1BF5;
	[smem:$0x3FBA] =	sst s0  }
0x18: {  	s0 =	sld [smem:$0x3F9D];
	_ =	swait.ge [sflag:s4], $0x0  }
0x19: {  	s7 =	sld [smem:$0x3F9E]  }
0x1a: {  	s8 =	sadd.s32 $0xFFFFE003, lr  }
0x1b: {  	s9 =	sadd.s32 $0xFFFFFEF7, lr;
	s5 =	simm.s32 $0xFFFFFFFF;
	p2 =	slt.u32 s8, $0xFFFFF086  }
0x1c: {  	p1 =	slt.u32 s9, $0xF7A;
	s5 =	simm.s32 @!p2 $0x0  }
0x1d: {  	s5 =	simm.s32 @p1 $0x1;
	p0 =	seq.s32 s7, s2  }
0x1e: {  	s7 =	smul.u32 @!p0 $0xF7A, s2;
	p2 =	seq.s32 @!p0 s5, $0x0  }
0x1f: {  	s9 =	smul.u32 $0xF7A, s1;
	s8 =	simm.s32 @!p0 $0x1BF5;
	p2 =	por !p2, p0  }
0x20: {  	[sflag:s8] =	ssyncset.s32 @!p0 $0xFFFFF086;
	s6 =	sadd.s32 @!p0 s3, s7;
	s7 =	simm.s32 @!p0 $0x108  }
0x21: {  	s3 =	sadd.s32 s3, s9;
	s6 =	sadd.s32 @!p0 $0x88, s6;
	s7 =	simm.s32 @p2 $0x1082  }
0x22: {  	[simem:s7], [sflag:s8] =	dma.local @!p0 [hbm:s6], $0xF7A  }
0x23: {  	s9 =	sor.u32 $0xD0000000, s2;
	s6 =	simm.s32 $0x108;
	_ =	swait.ge @!p0 [sflag:s8], $0x0  }
0x24: {  	s3 =	sadd.s32 $0x88, s3;
	s6 =	simm.s32 @!p1 $0x1082;
	[sflag:s4] =	ssyncset.s32 $0xFFFFF086  }
0x25: {  	[simem:s6], [sflag:s4] =	dma.local [hbm:s3], $0xF7A  }
0x26: {  	[smem:$0x3F9E] =	sst s1;
	(tag) =	ssettag s2;
	_ =	strace s9  }
0x27: {  	s1 =	sld [smem:$0x3FAE]  }
0x28: {  	s2 =	sld [smem:$0x3FAF]  }
0x29: {  	s4 =	sld [smem:$0x3FB1]  }
0x2a: {  	p0 =	seq.s32 s5, $0x0;
	s5 =	sld [smem:$0x3FB2]  }
0x2b: {  	s6 =	sld [smem:$0x3FB3]  }
0x2c: {  	s7 =	sld [smem:$0x3FB4]  }
0x2d: {  	s3 =	simm.s32 $0x108;
	s8 =	sld [smem:$0x3FB5]  }
0x2e: {  	s3 =	simm.s32 @!p0 $0x1082;
	s9 =	sld [smem:$0x3FB6]  }
0x2f: {  	lr =	sadd.s32 s0, s3;
	s0 =	sld [smem:$0x3FAD]  }
0x30: {  	s3 =	sld [smem:$0x3FB0]  }
0x31: {  	[smem:$0x3FB9] =	sst s10  }
0x32: {  	s10 =	sld [smem:$0x3FB7];
	_ =	sdelay $0x3  }
0x33: {  	p0 =	seq.s32 s10, $0x1;
	s10 =	sld [smem:$0x3FB9];
	_ =	sdelay $0x3  }
0x34: {  	[smem:$0x3FB9] =	sst s10  }
0x35: {  	s10 =	sld [smem:$0x3FB8];
	_ =	sdelay $0x3  }
0x36: {  	p1 =	seq.s32 s10, $0x1;
	s10 =	sld [smem:$0x3FB9];
	_ =	sdelay $0x3  }
0x37: {  	[smem:$0x3FB9] =	sst s10  }
0x38: {  	s10 =	sld [smem:$0x3FBA]  }
0x39: {  	_ = 	snop;
	(pc) =	sbr.ind lr, $3  }
0x3a: {  	_ = 	snop  }
0x3b: {  	_ = 	snop  }
0x3c: {  	p2 =	seq.s32 s10, $0x1;
	s10 =	sld [smem:$0x3FB9]  }
0x3d: {  	_ =	shalt  }
0x3e: {  	_ =	shalt  }
0x3f: {  	_ =	shalt  }
0x40: {  	_ =	shalt  }
0x41: {  	_ =	shalt  }
0x42: {  	_ =	shalt  }
0x43: {  	_ =	shalt  }
0x44: {  	_ =	shalt  }
0x45: {  	_ =	shalt  }
0x46: {  	_ =	shalt  }
0x47: {  	_ =	shalt  }
0x48: {  	_ =	shalt  }
0x49: {  	_ =	shalt  }
0x4a: {  	_ =	shalt  }
0x4b: {  	_ =	shalt  }
0x4c: {  	_ =	shalt  }
0x4d: {  	_ =	shalt  }
0x4e: {  	_ =	shalt  }
0x4f: {  	_ =	shalt  }
0x50: {  	_ =	shalt  }
0x51: {  	_ =	shalt  }
0x52: {  	_ =	shalt  }
0x53: {  	_ =	shalt  }
0x54: {  	_ =	shalt  }
0x55: {  	_ =	shalt  }
0x56: {  	_ =	shalt  }
0x57: {  	_ =	shalt  }
0x58: {  	_ =	shalt  }
0x59: {  	_ =	shalt  }
0x5a: {  	_ =	shalt  }
0x5b: {  	_ =	shalt  }
0x5c: {  	_ =	shalt  }
0x5d: {  	_ =	shalt  }
0x5e: {  	_ =	shalt  }
0x5f: {  	_ =	shalt  }
0x60: {  	_ =	shalt  }
0x61: {  	_ =	shalt  }
0x62: {  	_ =	shalt  }
0x63: {  	_ =	shalt  }
0x64: {  	_ =	shalt  }
0x65: {  	_ =	shalt  }
0x66: {  	_ =	shalt  }
0x67: {  	_ =	shalt  }
0x68: {  	_ =	shalt  }
0x69: {  	_ =	shalt  }
0x6a: {  	_ =	shalt  }
0x6b: {  	_ =	shalt  }
0x6c: {  	_ =	shalt  }
0x6d: {  	_ =	shalt  }
0x6e: {  	_ =	shalt  }
0x6f: {  	_ =	shalt  }
0x70: {  	_ =	shalt  }
0x71: {  	_ =	shalt  }
0x72: {  	_ =	shalt  }
0x73: {  	_ =	shalt  }
0x74: {  	_ =	shalt  }
0x75: {  	_ =	shalt  }
0x76: {  	_ =	shalt  }
0x77: {  	_ =	shalt  }
0x78: {  	_ =	shalt  }
0x79: {  	_ =	shalt  }
0x7a: {  	_ =	shalt  }
0x7b: {  	_ =	shalt  }
0x7c: {  	_ =	shalt  }
0x7d: {  	_ =	shalt  }
0x7e: {  	_ =	shalt  }
0x7f: {  	_ =	shalt  }
0x80: {  	_ =	shalt  }
0x81: {  	_ =	shalt  }
0x82: {  	_ =	shalt  }
0x83: {  	_ =	shalt  }
0x84: {  	_ =	shalt  }
0x85: {  	_ =	shalt  }
0x86: {  	_ =	shalt  }
0x87: {  	_ =	shalt  }
.Lfunc_end0:
.L_simem_size_0:
called_computation.1_lowered:
.L_overlay_start_0:
0x88: {  	s2 =	sld [smem:$0x3FD9]  }
0x89: {  	s3 =	sld [smem:$0x3FFE];
	_ =	sdelay $0x1  }
0x8a: {  	s1 =	srdreg.scid  }
0x8b: {  	s0 =	sand.u32 $0x1, s1  }
0x8c: {  	s17 =	sshll.u32 s0, $0xA;
	s2 =	sadd.s32 s3, s2  }
0x8d: {  	s2 =	sadd.s32 s2, s17  }
0x8e: {  	[smem:$0x3FC5] =	sst s2  }
0x8f: {  	_ = 	snop  }
0x90: {  	s2 =	sld [smem:$0x3FD0];
	(tm) =	ssettm $0x1  }
0x91: {  	s18 =	sld [smem:$0x3FFB];
	_ =	sdelay $0x3  }
0x92: {  	_ =	strace s18  }
0x93: {  	s3 =	sld [smem:$0x3FFC];
	_ =	sdelay $0x3  }
0x94: {  	_ =	strace s3  }
0x95: {  	s3 =	sld [smem:$0x3FFD];
	_ =	sdelay $0x3  }
0x96: {  	_ =	strace s3  }
0x97: {  	_ =	strace $0x8FFFFFFF  }
0x98: {  	s19 =	sld [smem:$0x3FDB];
	_ =	sdelay $0x1  }
0x99: {  	s4 =	simm.s32 $_scs_section_size  }
0x9a: {  	s5 =	simm.s32 $_size__tile_overlayer_lowered;
	s6 =	simm.s32 $_tile_overlayer_lowered  }
0x9b: {  	s22 =	simm.s32 $0x1BFF;
	s21 =	sshll.u32 s6, $0x1;
	s3 =	sadd.s32 s4, s19  }
0x9c: {  	s7 =	simm.s32 $0x0;
	s20 =	sshll.u32 s5, $0x1;
	s5 =	sadd.s32 s21, s3  }
0x9d: {  	[timem:s7], [sflag:s22] =	dma.local [hbm:s5], s20  }
0x9e: {  	_ =	swait.ge [sflag:s22], s20  }
0x9f: {  	s4 =	ssub.s32 $0x0, s20;
	[sflag:s22] =	ssyncset.done $0x0  }
0xa0: {  	[sflag:s22] =	ssyncadd.s32 s4;
	_ =	sdelay $0x1  }
0xa1: {  	s23 =	simm.s32 $0x1B8B  }
0xa2: {  	_ =	swait.ge [sflag:s23], $0x1  }
0xa3: {  	[sflag:s23] =	ssyncset.done $0x0  }
0xa4: {  	s25 =	simm.s32 $0x1B8E;
	s24 =	sld [smem:$0x3FFE];
	[sflag:s23] =	ssyncadd.s32 $0xFFFFFFFF  }
0xa5: {  	s26 =	simm.s32 $execute0_lowered;
	[smem:$0x3FD2] =	sst s25  }
0xa6: {  	s5 =	sshll.u32 s26, $0x1;
	_ =	strace $0x80000049;
	[dreg:$0x1] =	wrdreg $0xFFFFFFFF  }
0xa7: {  	s28 =	simm.s32 $_size_execute0_lowered;
	s3 =	sadd.s32 s3, s5;
	[dreg:$0x0] =	wrdreg $0x0  }
0xa8: {  	s5 =	sshll.u32 s28, $0x1;
	[dreg:$0x2] =	wrdreg s3  }
0xa9: {  	[dreg:$0x3] =	wrdreg s5  }
0xaa: {  	[dreg:$0x4] =	wrdreg $0xC0  }
0xab: {  	_ =	task [dreg:s7], $0x5FFFF  }
0xac: {  	[dreg:$0x1] =	wrdreg $0xFFFFFFFF  }
0xad: {  	[dreg:$0x0] =	wrdreg $0x60  }
0xae: {  	[dreg:$0x2] =	wrdreg s24  }
0xaf: {  	[dreg:$0x3] =	wrdreg s2  }
0xb0: {  	[dreg:$0x4] =	wrdreg $0x9  }
0xb1: {  	_ =	task.clear_ibuf [dreg:s7], $0x5FFFF;
	_ =	strace $0x90000049  }
0xb2: {  	s29 =	simm.s32 $0x9;
	_ =	strace $0x8000004B  }
0xb3: {  	_ =	swait.ge [sflag:s29], $0x1  }
0xb4: {  	[sflag:s29] =	ssyncadd.s32 $0xFFFFFFFF  }
0xb5: {  	_ =	strace $0x9000004B  }
0xb6: {  	_ =	sfence  }
0xb7: {  	s30 =	sld [smem:$0x0];
	_ =	sdelay $0x2  }
0xb8: {  	s31 =	sshll.u32 s1, $0xD;
	s1 =	sshrl.u32 s1, $0x2  }
0xb9: {  	s3 =	sand.u32 $0x4000, s31;
	s1 =	sadd.s32 s1, s30  }
0xba: {  	s0 =	sor.u32 s3, s0;
	s1 =	sshll.u32 s1, $0x11  }
0xbb: {  	s0 =	sor.u32 s1, s0  }
0xbc: {  	s0 =	sadd.s32 $0x8F2B, s0  }
0xbd: {  	[sflag:s0] =	ssyncadd.remote.s32 $0x1  }
0xbe: {  	_ =	sfence.sel $0xFFFF  }
0xbf: {  	[dreg:$0x0] =	wrdreg $0xFFFFFFFF;
	(pc) =	sbr.abs _section_cstart, $3  }
0xc0: {  	[dreg:$0x1] =	wrdreg $0xFFFFFFFF  }
0xc1: {  	_ =	task.clear_ibuf [dreg:s7], $0x2FFFF;
	_ =	strace $0x9FFFFFFF  }
0xc2: {  	(tm) =	ssettm $0x7FFFFFFF  }
0xc3: {  	_ =	shalt  }
tec
execute0_lowered:
.L_overlay_start_1:
0x0: {  	(tag) =	ssettag $0x1  }
0x1: {  	s0 =	rddreg [dreg:$0x0]  }
0x2: {  	s1 =	rddreg [dreg:$0x1];
	s2 =	srdreg.scid  }
0x3: {  	s4 =	stileid.u32;
	s15 =	simm.s32 $0x200;
	s16 =	simm.s32 $0x80  }
0x4: {  	s17 =	simm.s32 $0x280;
	s18 =	simm.s32 $0x100;
	s19 =	simm.s32 $0x300  }
0x5: {  	s20 =	simm.s32 $0x180;
	s21 =	simm.s32 $0x380;
	s22 =	simm.s32 $0x1  }
0x6: {  	s29 =	simm.s32 $0x6400;
	s30 =	simm.s32 $0x3400;
	s31 =	simm.s32 $0x7400  }
0x7: {  	s23 =	simm.s32 $0x3;
	s24 =	simm.s32 $0x0;
	s3 =	sand.u32 $0x1, s2  }
0x8: {  	s2 =	simm.s32 $0x0;
	s4 =	sshll.u32 s4, $0x7;
	s5 =	sshll.u32 s3, $0x6  }
0x9: {  	[smem:$0x7FF] =	sst s2;
	s26 =	ssub.s32 $0x2, s3;
	s3 =	sadd.s32 $0x600, s0  }
0xa: {  	s13 =	sor.u32 s5, s4;
	_ =	strace $0x8000004A;
	s6 =	sshrl.u32 s26, $0x1  }
0xb: {  	vm0 =	vmmov $0x1;
	vm1 =	vmmov $0x3;
	vm2 =	vmmov $0x7;
	s4 =	sadd.s32 $0x68600, s0;
	s12 =	sadd.s32 s13, s0;
	s28 =	ssub.s32 s26, s6  }
0xc: {  	vm3 =	vmmov $0xf;
	vm4 =	vmmov $0x1f;
	vm5 =	vmmov $0x3f;
	s13 =	sadd.s32 s1, s13;
	s0 =	simm.s32 $0x2;
	s1 =	simm.s32 $0x8400  }
0xd: {  	vm6 =	vmmov $0x7f;
	vm7 =	vmmov $0xff;
	vm8 =	vmmov $0x1ff;
	s5 =	sadd.s32 $0x62600, s12;
	s6 =	sadd.s32 $0x62E00, s12;
	s7 =	sadd.s32 $0x62610, s12  }
0xe: {  	vm9 =	vmmov $0x3ff;
	vm10 =	vmmov $0x7ff;
	vm11 =	vmmov $0xfff;
	s8 =	sadd.s32 $0x62E10, s12;
	s9 =	sadd.s32 $0x62620, s12;
	s10 =	sadd.s32 $0x62E20, s12  }
0xf: {  	vm12 =	vmmov $0x1fff;
	vm13 =	vmmov $0x3fff;
	vm14 =	vmmov $0x7fff;
	s11 =	sadd.s32 $0x62630, s12;
	s12 =	sadd.s32 $0x62E30, s12;
	s14 =	smax.u32 s28, $0x1  }
.LBB2_1:
0x10: {  	[tilespmem:s2], [sflag:$0x1] =	stream.linear.gather [hbm4b:s5+s2], $0x80, $0x38;
	[tilespmem:$0x8600] =	vst v63  }
0x11: {  	_ = 	snop  }
0x12: {  	[tilespmem:s15], [sflag:$0x1] =	stream.linear.gather [hbm4b:s6+s2], $0x80, $0x38;
	[tilespmem:$0x8600] =	vst v63  }
0x13: {  	_ = 	snop  }
0x14: {  	[tilespmem:s16], [sflag:$0x1] =	stream.linear.gather [hbm4b:s7+s2], $0x80, $0x38;
	[tilespmem:$0x8600] =	vst v63  }
0x15: {  	_ = 	snop  }
0x16: {  	[tilespmem:s17], [sflag:$0x1] =	stream.linear.gather [hbm4b:s8+s2], $0x80, $0x38;
	[tilespmem:$0x8600] =	vst v63  }
0x17: {  	_ = 	snop  }
0x18: {  	[tilespmem:s18], [sflag:$0x1] =	stream.linear.gather [hbm4b:s9+s2], $0x80, $0x38;
	[tilespmem:$0x8600] =	vst v63  }
0x19: {  	_ = 	snop  }
0x1a: {  	[tilespmem:s19], [sflag:$0x1] =	stream.linear.gather [hbm4b:s10+s2], $0x80, $0x38;
	[tilespmem:$0x8600] =	vst v63  }
0x1b: {  	_ = 	snop  }
0x1c: {  	[tilespmem:s20], [sflag:$0x1] =	stream.linear.gather [hbm4b:s11+s2], $0x80, $0x38;
	[tilespmem:$0x8600] =	vst v63  }
0x1d: {  	_ = 	snop  }
0x1e: {  	[tilespmem:s21], [sflag:$0x1] =	stream.linear.gather [hbm4b:s12+s2], $0x80, $0x38;
	[tilespmem:$0x8600] =	vst v63  }
0x1f: {  	_ =	swait.ge [sflag:s22], $0x80  }
0x20: {  	[sflag:s22] =	ssyncset.done $0x0  }
0x21: {  	s25 =	simm.s32 $0x400;
	[sflag:s22] =	ssyncadd.s32 $0xFFFFFF80  }
0x22: {  	[tilespmem:s25], [sflag:$0x2] =	stream.indirect.gather [hbm4b:s4+s16], $0x20, s2, s16, $0xb8;
	[tilespmem:$0x8600] =	vst v63  }
0x23: {  	_ =	swait.ge [sflag:s22], $0x80  }
0x24: {  	[sflag:s22] =	ssyncset.done $0x0  }
0x25: {  	s26 =	simm.s32 $0x4400;
	[sflag:s22] =	ssyncadd.s32 $0xFFFFFF80  }
0x26: {  	[tilespmem:s26], [sflag:$0x2] =	stream.indirect.gather [hbm4b:s3+s16], $0x20, s15, s16, $0xb8;
	[tilespmem:$0x8600] =	vst v63  }
0x27: {  	_ =	swait.ge [sflag:s22], $0x80  }
0x28: {  	[sflag:s22] =	ssyncset.done $0x0  }
0x29: {  	s26 =	simm.s32 $0x1400;
	[sflag:s22] =	ssyncadd.s32 $0xFFFFFF80  }
0x2a: {  	[tilespmem:s26], [sflag:$0x2] =	stream.indirect.gather [hbm4b:s4+s16], $0x20, s16, s16, $0xb8;
	[tilespmem:$0x8600] =	vst v63  }
0x2b: {  	_ =	swait.ge [sflag:s22], $0x80  }
0x2c: {  	[sflag:s22] =	ssyncset.done $0x0  }
0x2d: {  	s26 =	simm.s32 $0x5400;
	[sflag:s22] =	ssyncadd.s32 $0xFFFFFF80  }
0x2e: {  	[tilespmem:s26], [sflag:$0x2] =	stream.indirect.gather [hbm4b:s3+s16], $0x20, s17, s16, $0xb8;
	[tilespmem:$0x8600] =	vst v63  }
0x2f: {  	_ =	swait.ge [sflag:s22], $0x80  }
0x30: {  	[sflag:s22] =	ssyncset.done $0x0  }
0x31: {  	s26 =	simm.s32 $0x2400;
	[sflag:s22] =	ssyncadd.s32 $0xFFFFFF80  }
0x32: {  	[tilespmem:s26], [sflag:$0x2] =	stream.indirect.gather [hbm4b:s4+s16], $0x20, s18, s16, $0xb8;
	[tilespmem:$0x8600] =	vst v63  }
0x33: {  	_ =	swait.ge [sflag:s22], $0x80  }
0x34: {  	[sflag:s22] =	ssyncset.done $0x0  }
0x35: {  	[sflag:s22] =	ssyncadd.s32 $0xFFFFFF80  }
0x36: {  	[tilespmem:s29], [sflag:$0x2] =	stream.indirect.gather [hbm4b:s3+s16], $0x20, s19, s16, $0xb8;
	[tilespmem:$0x8600] =	vst v63  }
0x37: {  	_ =	swait.ge [sflag:s22], $0x80  }
0x38: {  	[sflag:s22] =	ssyncset.done $0x0  }
0x39: {  	[sflag:s22] =	ssyncadd.s32 $0xFFFFFF80  }
0x3a: {  	[tilespmem:s30], [sflag:$0x2] =	stream.indirect.gather [hbm4b:s4+s16], $0x20, s20, s16, $0xb8;
	[tilespmem:$0x8600] =	vst v63  }
0x3b: {  	_ =	swait.ge [sflag:s22], $0x80  }
0x3c: {  	[sflag:s22] =	ssyncset.done $0x0  }
0x3d: {  	[sflag:s22] =	ssyncadd.s32 $0xFFFFFF80  }
0x3e: {  	[tilespmem:s31], [sflag:$0x2] =	stream.indirect.gather [hbm4b:s3+s16], $0x20, s21, s16, $0xb8;
	[tilespmem:$0x8600] =	vst v63  }
0x3f: {  	_ =	swait.ge [sflag:s0], $0x1000  }
0x40: {  	[sflag:s0] =	ssyncset.done $0x0  }
0x41: {  	[sflag:s0] =	ssyncadd.s32 $0xFFFFF000  }
0x42: {  	_ =	swait.ge [sflag:s0], $0x1000  }
0x43: {  	[sflag:s0] =	ssyncset.done $0x0  }
0x44: {  	[sflag:s0] =	ssyncadd.s32 $0xFFFFF000  }
0x45: {  	_ =	swait.ge [sflag:s0], $0x1000  }
0x46: {  	[sflag:s0] =	ssyncset.done $0x0  }
0x47: {  	[sflag:s0] =	ssyncadd.s32 $0xFFFFF000  }
0x48: {  	_ =	swait.ge [sflag:s0], $0x1000  }
0x49: {  	[sflag:s0] =	ssyncset.done $0x0  }
0x4a: {  	[sflag:s0] =	ssyncadd.s32 $0xFFFFF000  }
0x4b: {  	_ =	swait.ge [sflag:s0], $0x1000  }
0x4c: {  	[sflag:s0] =	ssyncset.done $0x0  }
0x4d: {  	[sflag:s0] =	ssyncadd.s32 $0xFFFFF000  }
0x4e: {  	_ =	swait.ge [sflag:s0], $0x1000  }
0x4f: {  	[sflag:s0] =	ssyncset.done $0x0  }
0x50: {  	[sflag:s0] =	ssyncadd.s32 $0xFFFFF000  }
0x51: {  	_ =	swait.ge [sflag:s0], $0x1000  }
0x52: {  	[sflag:s0] =	ssyncset.done $0x0  }
0x53: {  	[sflag:s0] =	ssyncadd.s32 $0xFFFFF000  }
0x54: {  	_ =	swait.ge [sflag:s0], $0x1000  }
0x55: {  	[sflag:s0] =	ssyncset.done $0x0  }
0x56: {  	s26 =	simm.s32 $0x0;
	[sflag:s0] =	ssyncadd.s32 $0xFFFFF000  }
0x57: {  	v0 =	vld [tilespmem:s26+$0x5C0]  }
0x58: {  	v1 =	vld [tilespmem:s26+$0x45C0]  }
0x59: {  	v2 =	vld [tilespmem:s26+$0x5D0]  }
0x5a: {  	v3 =	vld [tilespmem:s26+$0x45D0]  }
0x5b: {  	v4 =	vld [tilespmem:s26+$0x5A0]  }
0x5c: {  	v5 =	vld [tilespmem:s26+$0x580]  }
0x5d: {  	v6 =	vld [tilespmem:s26+$0x4580]  }
0x5e: {  	v7 =	vld [tilespmem:s26+$0x590]  }
0x5f: {  	v8 =	vld [tilespmem:s26+$0x4590]  }
0x60: {  	v9 =	vld [tilespmem:s26+$0x560]  }
0x61: {  	v10 =	vld [tilespmem:s26+$0x4560]  }
0x62: {  	v11 =	vld [tilespmem:s26+$0x570]  }
0x63: {  	v12 =	vld [tilespmem:s26+$0x4570]  }
0x64: {  	v13 =	vld [tilespmem:s26+$0x540]  }
0x65: {  	v14 =	vld [tilespmem:s26+$0x520]  }
0x66: {  	v15 =	vld [tilespmem:s26+$0x4520]  }
0x67: {  	v16 =	vld [tilespmem:s26+$0x530]  }
0x68: {  	v17 =	vld [tilespmem:s26+$0x4530]  }
0x69: {  	v18 =	vld [tilespmem:s26+$0x500]  }
0x6a: {  	v19 =	vld [tilespmem:s26+$0x4500]  }
0x6b: {  	v20 =	vld [tilespmem:s26+$0x510]  }
0x6c: {  	v21 =	vld [tilespmem:s26+$0x4510]  }
0x6d: {  	v22 =	vld [tilespmem:s26+$0x4E0]  }
0x6e: {  	v23 =	vld [tilespmem:s26+$0x4C0]  }
0x6f: {  	v24 =	vld [tilespmem:s26+$0x44C0]  }
0x70: {  	v25 =	vld [tilespmem:s26+$0x4D0]  }
0x71: {  	v26 =	vld [tilespmem:s26+$0x44D0]  }
0x72: {  	v27 =	vld [tilespmem:s26+$0x4A0]  }
0x73: {  	v28 =	vld [tilespmem:s26+$0x44A0]  }
0x74: {  	v29 =	vld [tilespmem:s26+$0x4B0]  }
0x75: {  	v30 =	vld [tilespmem:s26+$0x44B0]  }
0x76: {  	v31 =	vld [tilespmem:s26+$0x480]  }
0x77: {  	v32 =	vld [tilespmem:s26+$0x460]  }
0x78: {  	v33 =	vld [tilespmem:s26+$0x4460]  }
0x79: {  	v34 =	vld [tilespmem:s26+$0x470]  }
0x7a: {  	v35 =	vld [tilespmem:s26+$0x4470]  }
0x7b: {  	v36 =	vld [tilespmem:s26+$0x440]  }
0x7c: {  	v37 =	vld [tilespmem:s26+$0x4440]  }
0x7d: {  	v38 =	vld [tilespmem:s26+$0x450]  }
0x7e: {  	v39 =	vld [tilespmem:s26+$0x4450]  }
0x7f: {  	v40 =	vld [tilespmem:s26+$0x4400]  }
0x80: {  	v41 =	vld [tilespmem:s26+$0x400]  }
0x81: {  	v0 =	vmul.f32 v1, v0;
	v1 =	vmul.f32 v3, v2;
	v2 =	vld [tilespmem:s26+$0x410]  }
0x82: {  	v3 =	vmul.f32 v6, v5;
	v5 =	vmul.f32 v8, v7;
	v6 =	vld [tilespmem:s26+$0x4410]  }
0x83: {  	v7 =	vmul.f32 v12, v11;
	v8 =	vld [tilespmem:s26+$0x420];
	v0 =	vadd.f32 v1, v0;
	v1 =	vmul.f32 v10, v9  }
0x84: {  	v11 =	vld [tilespmem:s26+$0x430];
	v3 =	vadd.f32 v5, v3;
	v5 =	vmul.f32 v15, v14;
	v9 =	vmul.f32 v17, v16  }
0x85: {  	v12 =	vld [tilespmem:s26+$0x4430];
	(xrf2) =	vadd.scan.msk.f32 $0xffff, v0;
	v0 =	vadd.f32 v7, v1;
	v1 =	vmul.f32 v19, v18;
	v7 =	vmul.f32 v21, v20  }
0x86: {  	v10 =	vld [tilespmem:s26+$0x4420];
	(xrf2) =	vadd.scan.msk.f32 $0xffff, v3;
	v3 =	vadd.f32 v9, v5;
	v5 =	vmul.f32 v24, v23;
	v9 =	vmul.f32 v26, v25  }
0x87: {  	v14 =	vld [tilespmem:s26+$0x4480];
	(xrf2) =	vadd.scan.msk.f32 $0xffff, v0;
	v0 =	vadd.f32 v7, v1;
	v1 =	vmul.f32 v28, v27;
	v7 =	vmul.f32 v30, v29  }
0x88: {  	v15 =	vld [tilespmem:s26+$0x490];
	(xrf2) =	vadd.scan.msk.f32 $0xffff, v3;
	v3 =	vadd.f32 v9, v5;
	v5 =	vmul.f32 v33, v32;
	v9 =	vmul.f32 v35, v34  }
0x89: {  	v16 =	vld [tilespmem:s26+$0x4490];
	(xrf2) =	vadd.scan.msk.f32 $0xffff, v0;
	v0 =	vadd.f32 v7, v1;
	v1 =	vmul.f32 v37, v36;
	v7 =	vmul.f32 v39, v38  }
0x8a: {  	v2 =	vmul.f32 v6, v2;
	v6 =	vld [tilespmem:s26+$0x44E0];
	(xrf2) =	vadd.scan.msk.f32 $0xffff, v3;
	v3 =	vadd.f32 v9, v5  }
0x8b: {  	v5 =	vmul.f32 v40, v41;
	(xrf2) =	vadd.scan.msk.f32 $0xffff, v0;
	v0 =	vadd.f32 v7, v1;
	v1 =	vmul.f32 v10, v8;
	v8 =	vld [tilespmem:s26+$0x4F0]  }
0x8c: {  	v7 =	vmul.f32 v12, v11;
	v10 =	vld [tilespmem:s26+$0x4550]  }
0x8d: {  	(xrf2) =	vadd.scan.msk.f32 $0xffff, v3;
	v2 =	vadd.f32 v2, v5;
	v3 =	vld [tilespmem:s26+$0x44F0]  }
0x8e: {  	(xrf2) =	vadd.scan.msk.f32 $0xffff, v0;
	v0 =	vadd.f32 v7, v1;
	v1 =	vld [tilespmem:s26+$0x4540]  }
0x8f: {  	v5 =	vmul.f32 v16, v15;
	v7 =	vld [tilespmem:s26+$0x550];
	(xrf2) =	vadd.scan.msk.f32 $0xffff, v2;
	v2 =	vmul.f32 v14, v31  }
0x90: {  	v14 =	vld [tilespmem:s26+$0x45B0]  }
0x91: {  	v9, _, _ =	vpop (xrf2);
	(xrf2) =	vadd.scan.msk.f32 $0xffff, v0;
	v2 =	vadd.f32 v5, v2;
	v5 =	vld [tilespmem:s26+$0x45A0]  }
0x92: {  	v6 =	vmul.f32 v6, v22;
	v0, _, _ =	vpop (xrf2);
	v3 =	vmul.f32 v3, v8;
	v8 =	vld [tilespmem:s26+$0x5B0]  }
0x93: {  	v11, _, _ =	vpop (xrf2)  }
0x94: {  	v12, _, _ =	vpop (xrf2);
	v3 =	vadd.f32 v3, v6  }
0x95: {  	(xrf2) =	vadd.scan.msk.f32 $0xffff, v2;
	v2, _, _ =	vpop (xrf2)  }
0x96: {  	v1 =	vmul.f32 v1, v13;
	v7 =	vmul.f32 v10, v7;
	v15, _, _ =	vpop (xrf2)  }
0x97: {  	v4 =	vmul.f32 v5, v4;
	v13, _, _ =	vpop (xrf2);
	v5 =	vmul.f32 v14, v8  }
0x98: {  	v10 =	vld [tilespmem:s26+$0x45E0];
	(xrf2) =	vadd.scan.msk.f32 $0xffff, v3;
	v3, _, _ =	vpop (xrf2)  }
0x99: {  	v6 =	vld [tilespmem:s26+$0x5E0];
	v1 =	vadd.f32 v7, v1;
	v17, _, _ =	vpop (xrf2)  }
0x9a: {  	v16 =	vld [tilespmem:s26+$0x5F0];
	v8, _, _ =	vpop (xrf2)  }
0x9b: {  	v7 =	vld [tilespmem:s26+$0x45F0];
	(xrf2) =	vadd.scan.msk.f32 $0xffff, v1;
	v1 =	vadd.f32 v5, v4;
	v5, _, _ =	vpop (xrf2)  }
0x9c: {  	v5 =	vbroadcast v5, $0xF;
	_ =	sdelay $0x1  }
0x9d: {  	v4 =	vmul.f32 v10, v6;
	v6 =	vbroadcast v8, $0xF  }
0x9e: {  	v8 =	vbroadcast v17, $0xF  }
0x9f: {  	v3 =	vbroadcast v3, $0xF;
	v7 =	vmul.f32 v7, v16;
	(xrf2) =	vadd.scan.msk.f32 $0xffff, v1;
	v1 =	vsel vm0, v6, v5;
	v5, _, _ =	vpop (xrf2)  }
0xa0: {  	v1 =	vsel vm1, v1, v8;
	v5 =	vbroadcast v5, $0xF  }
0xa1: {  	v4 =	vadd.f32 v7, v4;
	v1 =	vsel vm2, v1, v3;
	v3 =	vbroadcast v13, $0xF  }
0xa2: {  	v6, _, _ =	vpop (xrf2);
	v1 =	vsel vm3, v1, v5;
	v5 =	vbroadcast v15, $0xF  }
0xa3: {  	v1 =	vsel vm4, v1, v3;
	v3 =	vbroadcast v6, $0xF  }
0xa4: {  	v2 =	vbroadcast v2, $0xF;
	(xrf2) =	vadd.scan.msk.f32 $0xffff, v4;
	v1 =	vsel vm5, v1, v5  }
0xa5: {  	v4, _, _ =	vpop (xrf2);
	v1 =	vsel vm6, v1, v3;
	v3 =	vbroadcast v12, $0xF  }
0xa6: {  	v1 =	vsel vm7, v1, v2;
	v2 =	vbroadcast v4, $0xF  }
0xa7: {  	v1 =	vsel vm8, v1, v3;
	v3 =	vbroadcast v11, $0xF  }
0xa8: {  	v0 =	vbroadcast v0, $0xF;
	v1 =	vsel vm9, v1, v2  }
0xa9: {  	v1 =	vsel vm10, v1, v3  }
0xaa: {  	v2, _, _ =	vpop (xrf2);
	v0 =	vsel vm11, v1, v0;
	v1 =	vbroadcast v9, $0xF  }
0xab: {  	v2 =	vbroadcast v2, $0xF;
	_ =	sdelay $0x1  }
0xac: {  	v0 =	vsel vm12, v0, v2  }
0xad: {  	v0 =	vsel vm13, v0, v1;
	v1, _, _ =	vpop (xrf2)  }
0xae: {  	v0 =	vsel vm14, v0, v1  }
0xaf: {  	v0 =	vsub.f32 $0.0e+00, v0;
	_ =	sdelay $0x1  }
0xb0: {  	v0 =	vmul.f32 $1.442695020e+00, v0;
	_ =	sdelay $0x1  }
0xb1: {  	(erf) = vpow2.f32 v0;
	_ =	sdelay $0x8  }
0xb2: {  	v0 =	vpop (erf)  }
0xb3: {  	v0 =	vadd.f32 $1.000000000e+00, v0;
	_ =	sdelay $0x1  }
0xb4: {  	(erf) = vrcp.f32 v0;
	_ =	sdelay $0x8  }
0xb5: {  	v0 =	vpop (erf)  }
0xb6: {  	s26 =	simm.s32 $0x200;
	[tilespmem:s1+$0x0] =	vst v0  }
0xb7: {  	v2 =	vld [tilespmem:s26+$0x5C0]  }
0xb8: {  	v3 =	vld [tilespmem:s26+$0x45C0]  }
0xb9: {  	v5 =	vld [tilespmem:s26+$0x5D0]  }
0xba: {  	v6 =	vld [tilespmem:s26+$0x45D0]  }
0xbb: {  	v0 =	vld [tilespmem:s26+$0x5A0]  }
0xbc: {  	v7 =	vld [tilespmem:s26+$0x580]  }
0xbd: {  	v8 =	vld [tilespmem:s26+$0x4580]  }
0xbe: {  	v9 =	vld [tilespmem:s26+$0x590]  }
0xbf: {  	v10 =	vld [tilespmem:s26+$0x4590]  }
0xc0: {  	v11 =	vld [tilespmem:s26+$0x560]  }
0xc1: {  	v12 =	vld [tilespmem:s26+$0x4560]  }
0xc2: {  	v13 =	vld [tilespmem:s26+$0x570]  }
0xc3: {  	v14 =	vld [tilespmem:s26+$0x4570]  }
0xc4: {  	v1 =	vld [tilespmem:s26+$0x540]  }
0xc5: {  	v15 =	vld [tilespmem:s26+$0x520]  }
0xc6: {  	v16 =	vld [tilespmem:s26+$0x4520]  }
0xc7: {  	v17 =	vld [tilespmem:s26+$0x530]  }
0xc8: {  	v18 =	vld [tilespmem:s26+$0x4530]  }
0xc9: {  	v19 =	vld [tilespmem:s26+$0x500]  }
0xca: {  	v54 =	vld [tilespmem:s26+$0x4500]  }
0xcb: {  	v55 =	vld [tilespmem:s26+$0x510]  }
0xcc: {  	v56 =	vld [tilespmem:s26+$0x4510]  }
0xcd: {  	v4 =	vld [tilespmem:s26+$0x4E0]  }
0xce: {  	v57 =	vld [tilespmem:s26+$0x4C0]  }
0xcf: {  	v58 =	vld [tilespmem:s26+$0x44C0]  }
0xd0: {  	v59 =	vld [tilespmem:s26+$0x4D0]  }
0xd1: {  	v60 =	vld [tilespmem:s26+$0x44D0];
	v2 =	vmul.f32 v3, v2;
	v3 =	vmul.f32 v6, v5  }
0xd2: {  	v61 =	vld [tilespmem:s26+$0x4A0];
	v6 =	vmul.f32 v8, v7;
	v8 =	vmul.f32 v10, v9  }
0xd3: {  	v62 =	vld [tilespmem:s26+$0x44A0];
	v2 =	vadd.f32 v3, v2  }
0xd4: {  	v63 =	vld [tilespmem:s26+$0x4450];
	v9 =	vmul.f32 v14, v13;
	v3 =	vmul.f32 v12, v11;
	v6 =	vadd.f32 v8, v6  }
0xd5: {  	v5 =	vld [tilespmem:s26+$0x4B0];
	v8 =	vmul.f32 v16, v15;
	v11 =	vmul.f32 v18, v17;
	(xrf2) =	vadd.scan.msk.f32 $0xffff, v2  }
0xd6: {  	v10 =	vld [tilespmem:s26+$0x44B0];
	v2 =	vadd.f32 v9, v3;
	(xrf2) =	vadd.scan.msk.f32 $0xffff, v6  }
0xd7: {  	v7 =	vld [tilespmem:s26+$0x480];
	v3 =	vadd.f32 v11, v8  }
0xd8: {  	v13 =	vld [tilespmem:s26+$0x460];
	(xrf2) =	vadd.scan.msk.f32 $0xffff, v2  }
0xd9: {  	v14 =	vld [tilespmem:s26+$0x4460];
	v2 =	vmul.f32 v54, v19;
	(xrf2) =	vadd.scan.msk.f32 $0xffff, v3;
	v3 =	vmul.f32 v56, v55  }
0xda: {  	v16 =	vld [tilespmem:s26+$0x440]  }
0xdb: {  	v11 =	vld [tilespmem:s26+$0x4470];
	v3 =	vadd.f32 v3, v2  }
0xdc: {  	v12 =	vmul.f32 v58, v57;
	v15 =	vmul.f32 v60, v59;
	v6 =	vld [tilespmem:s26+$0x470]  }
0xdd: {  	v17 =	vld [tilespmem:s26+$0x4440];
	(xrf2) =	vadd.scan.msk.f32 $0xffff, v3  }
0xde: {  	v18 =	vld [tilespmem:s26+$0x450];
	v15 =	vadd.f32 v15, v12  }
0xdf: {  	v8 =	vld [tilespmem:s26+$0x4400];
	v5 =	vmul.f32 v10, v5;
	v19 =	vmul.f32 v62, v61;
	v2, _, _ =	vpop (xrf2)  }
0xe0: {  	v9 =	vld [tilespmem:s26+$0x400];
	v3, _, _ =	vpop (xrf2);
	(xrf2) =	vadd.scan.msk.f32 $0xffff, v15  }
0xe1: {  	v12 =	vld [tilespmem:s26+$0x4410];
	v19 =	vadd.f32 v5, v19;
	v6 =	vmul.f32 v11, v6  }
0xe2: {  	v10 =	vld [tilespmem:s26+$0x410];
	v14 =	vmul.f32 v14, v13  }
0xe3: {  	v13 =	vld [tilespmem:s26+$0x4420];
	(xrf2) =	vadd.scan.msk.f32 $0xffff, v19  }
0xe4: {  	v11 =	vld [tilespmem:s26+$0x420];
	v15 =	vadd.f32 v6, v14;
	v5, _, _ =	vpop (xrf2)  }
0xe5: {  	s28 =	simm.s32 $0x1000;
	s25 =	simm.s32 $0x8400;
	v16 =	vmul.f32 v17, v16;
	v17 =	vmul.f32 v63, v18;
	v14 =	vld [tilespmem:s26+$0x430];
	v6, _, _ =	vpop (xrf2)  }
.LBB2_2:
0xe6: {  	p0 =	sne.s32 s28, $0xF800;
	v18 =	vld [tilespmem:s26+$0x4430];
	(xrf2) =	vadd.scan.msk.f32 $0xffff, v15  }
0xe7: {  	v19 =	vadd.f32 v17, v16;
	v16 =	vld [tilespmem:s26+$0x4480];
	v17, _, _ =	vpop (xrf2)  }
0xe8: {  	v8 =	vmul.f32 v8, v9;
	v9 =	vmul.f32 v12, v10;
	v10 =	vld [tilespmem:s26+$0x490]  }
0xe9: {  	v12 =	vld [tilespmem:s26+$0x4490];
	(xrf2) =	vadd.scan.msk.f32 $0xffff, v19  }
0xea: {  	v8 =	vadd.f32 v9, v8;
	v9 =	vld [tilespmem:s26+$0x44E0];
	v15, _, _ =	vpop (xrf2)  }
0xeb: {  	v11 =	vmul.f32 v13, v11;
	v19 =	vmul.f32 v18, v14;
	v14 =	vld [tilespmem:s26+$0x4F0]  }
0xec: {  	v18 =	vld [tilespmem:s26+$0x44F0];
	(xrf2) =	vadd.scan.msk.f32 $0xffff, v8  }
0xed: {  	v8 =	vadd.f32 v19, v11;
	v11 =	vld [tilespmem:s26+$0x4540];
	v13, _, _ =	vpop (xrf2)  }
0xee: {  	v7 =	vmul.f32 v16, v7;
	v19 =	vmul.f32 v12, v10;
	v12 =	vld [tilespmem:s26+$0x550]  }
0xef: {  	v16 =	vld [tilespmem:s26+$0x4550];
	(xrf2) =	vadd.scan.msk.f32 $0xffff, v8  }
0xf0: {  	v7 =	vadd.f32 v19, v7;
	v8 =	vld [tilespmem:s26+$0x45A0];
	v10, _, _ =	vpop (xrf2)  }
0xf1: {  	v4 =	vmul.f32 v9, v4;
	v19 =	vmul.f32 v18, v14;
	v14 =	vld [tilespmem:s26+$0x5B0]  }
0xf2: {  	v18 =	vld [tilespmem:s26+$0x45B0];
	(xrf2) =	vadd.scan.msk.f32 $0xffff, v7  }
0xf3: {  	v4 =	vadd.f32 v19, v4;
	v7 =	vld [tilespmem:s26+$0x5E0];
	v9, _, _ =	vpop (xrf2)  }
0xf4: {  	v1 =	vmul.f32 v11, v1;
	v19 =	vmul.f32 v16, v12;
	v12 =	vld [tilespmem:s26+$0x45E0]  }
0xf5: {  	v16 =	vld [tilespmem:s26+$0x5F0];
	(xrf2) =	vadd.scan.msk.f32 $0xffff, v4  }
0xf6: {  	v1 =	vadd.f32 v19, v1;
	v4 =	vld [tilespmem:s26+$0x45F0];
	v11, _, _ =	vpop (xrf2)  }
0xf7: {  	v0 =	vmul.f32 v8, v0;
	v8 =	vmul.f32 v18, v14  }
0xf8: {  	(xrf2) =	vadd.scan.msk.f32 $0xffff, v1  }
0xf9: {  	v0 =	vadd.f32 v8, v0;
	v1 =	vmul.f32 v12, v7;
	v7, _, _ =	vpop (xrf2)  }
0xfa: {  	v11 =	vbroadcast v11, $0xF;
	v7 =	vbroadcast v7, $0xF  }
0xfb: {  	v9 =	vbroadcast v9, $0xF;
	v4 =	vmul.f32 v4, v16;
	(xrf2) =	vadd.scan.msk.f32 $0xffff, v0  }
0xfc: {  	v0 =	vsel vm0, v11, v7;
	v7 =	vbroadcast v10, $0xF;
	v8, _, _ =	vpop (xrf2)  }
0xfd: {  	v0 =	vsel vm1, v0, v9;
	v9 =	vbroadcast v8, $0xF;
	v1 =	vadd.f32 v4, v1  }
0xfe: {  	v4 =	vbroadcast v13, $0xF;
	v0 =	vsel vm2, v0, v7  }
0xff: {  	v7 =	vbroadcast v15, $0xF;
	v0 =	vsel vm3, v0, v9;
	v8, _, _ =	vpop (xrf2);
	(xrf2) =	vadd.scan.msk.f32 $0xffff, v1  }
0x100: {  	v0 =	vsel vm4, v0, v4;
	v1 =	vbroadcast v8, $0xF  }
0x101: {  	v4 =	vbroadcast v17, $0xF;
	v0 =	vsel vm5, v0, v7  }
0x102: {  	v0 =	vsel vm6, v0, v1;
	v1 =	vbroadcast v6, $0xF;
	v6, _, _ =	vpop (xrf2)  }
0x103: {  	v0 =	vsel vm7, v0, v4;
	v6 =	vbroadcast v6, $0xF  }
0x104: {  	v0 =	vsel vm8, v0, v1;
	v1 =	vbroadcast v5, $0xF  }
0x105: {  	v3 =	vbroadcast v3, $0xF;
	v0 =	vsel vm9, v0, v6;
	v4, _, _ =	vpop (xrf2)  }
0x106: {  	v0 =	vsel vm10, v0, v1;
	v4 =	vbroadcast v4, $0xF  }
0x107: {  	v2 =	vbroadcast v2, $0xF;
	v0 =	vsel vm11, v0, v3  }
0x108: {  	v0 =	vsel vm12, v0, v4  }
0x109: {  	v0 =	vsel vm13, v0, v2;
	v1, _, _ =	vpop (xrf2)  }
0x10a: {  	v0 =	vsel vm14, v0, v1  }
0x10b: {  	v0 =	vsub.f32 $0.0e+00, v0;
	_ =	sdelay $0x1  }
0x10c: {  	v0 =	vmul.f32 $1.442695020e+00, v0;
	_ =	sdelay $0x1  }
0x10d: {  	(erf) = vpow2.f32 v0;
	_ =	sdelay $0x8  }
0x10e: {  	v0 =	vpop (erf)  }
0x10f: {  	v0 =	vadd.f32 $1.000000000e+00, v0;
	_ =	sdelay $0x1  }
0x110: {  	(erf) = vrcp.f32 v0;
	_ =	sdelay $0x8  }
0x111: {  	s25 =	sadd.s32 $0x10, s25;
	v0 =	vpop (erf)  }
0x112: {  	s26 =	sshra.s32 s28, $0x2;
	[tilespmem:s25+$0x0] =	vst v0  }
0x113: {  	v2 =	vld [tilespmem:s26+$0x5C0]  }
0x114: {  	v3 =	vld [tilespmem:s26+$0x45C0]  }
0x115: {  	v5 =	vld [tilespmem:s26+$0x5D0]  }
0x116: {  	v6 =	vld [tilespmem:s26+$0x45D0]  }
0x117: {  	v0 =	vld [tilespmem:s26+$0x5A0]  }
0x118: {  	v7 =	vld [tilespmem:s26+$0x580]  }
0x119: {  	v8 =	vld [tilespmem:s26+$0x4580]  }
0x11a: {  	v9 =	vld [tilespmem:s26+$0x590]  }
0x11b: {  	v10 =	vld [tilespmem:s26+$0x4590]  }
0x11c: {  	v11 =	vld [tilespmem:s26+$0x560]  }
0x11d: {  	v12 =	vld [tilespmem:s26+$0x4560]  }
0x11e: {  	v13 =	vld [tilespmem:s26+$0x570]  }
0x11f: {  	v14 =	vld [tilespmem:s26+$0x4570]  }
0x120: {  	v1 =	vld [tilespmem:s26+$0x540]  }
0x121: {  	v15 =	vld [tilespmem:s26+$0x520]  }
0x122: {  	v16 =	vld [tilespmem:s26+$0x4520]  }
0x123: {  	v17 =	vld [tilespmem:s26+$0x530]  }
0x124: {  	v18 =	vld [tilespmem:s26+$0x4530]  }
0x125: {  	v19 =	vld [tilespmem:s26+$0x500]  }
0x126: {  	v20 =	vld [tilespmem:s26+$0x4500]  }
0x127: {  	v21 =	vld [tilespmem:s26+$0x510]  }
0x128: {  	v22 =	vld [tilespmem:s26+$0x4510]  }
0x129: {  	v2 =	vmul.f32 v3, v2;
	v3 =	vmul.f32 v6, v5;
	v4 =	vld [tilespmem:s26+$0x4E0]  }
0x12a: {  	v5 =	vld [tilespmem:s26+$0x4C0]  }
0x12b: {  	v2 =	vadd.f32 v3, v2;
	v6 =	vld [tilespmem:s26+$0x44C0]  }
0x12c: {  	v7 =	vmul.f32 v8, v7;
	v8 =	vmul.f32 v10, v9;
	v3 =	vld [tilespmem:s26+$0x4D0]  }
0x12d: {  	v9 =	vld [tilespmem:s26+$0x44D0];
	(xrf2) =	vadd.scan.msk.f32 $0xffff, v2  }
0x12e: {  	v2 =	vadd.f32 v8, v7;
	v10 =	vld [tilespmem:s26+$0x4A0]  }
0x12f: {  	v7 =	vmul.f32 v12, v11;
	v8 =	vmul.f32 v14, v13;
	v23 =	vld [tilespmem:s26+$0x44A0]  }
0x130: {  	v11 =	vld [tilespmem:s26+$0x4B0];
	(xrf2) =	vadd.scan.msk.f32 $0xffff, v2  }
0x131: {  	v2 =	vadd.f32 v8, v7;
	v12 =	vld [tilespmem:s26+$0x44B0]  }
0x132: {  	v13 =	vmul.f32 v18, v17;
	v8 =	vmul.f32 v16, v15;
	v7 =	vld [tilespmem:s26+$0x480]  }
0x133: {  	v14 =	vld [tilespmem:s26+$0x460];
	(xrf2) =	vadd.scan.msk.f32 $0xffff, v2  }
0x134: {  	v24 =	vadd.f32 v13, v8;
	v15 =	vld [tilespmem:s26+$0x4460]  }
0x135: {  	v16 =	vmul.f32 v22, v21;
	v8 =	vmul.f32 v20, v19;
	v13 =	vld [tilespmem:s26+$0x470]  }
0x136: {  	v17 =	vld [tilespmem:s26+$0x4470];
	(xrf2) =	vadd.scan.msk.f32 $0xffff, v24  }
0x137: {  	v8 =	vadd.f32 v16, v8;
	v18 =	vld [tilespmem:s26+$0x440];
	v2, _, _ =	vpop (xrf2)  }
0x138: {  	v5 =	vmul.f32 v6, v5;
	v6 =	vmul.f32 v9, v3;
	v16 =	vld [tilespmem:s26+$0x4440]  }
0x139: {  	v19 =	vld [tilespmem:s26+$0x450];
	(xrf2) =	vadd.scan.msk.f32 $0xffff, v8  }
0x13a: {  	v21 =	vadd.f32 v6, v5;
	v20 =	vld [tilespmem:s26+$0x4450];
	v3, _, _ =	vpop (xrf2)  }
0x13b: {  	v6 =	vmul.f32 v23, v10;
	v11 =	vmul.f32 v12, v11;
	v8 =	vld [tilespmem:s26+$0x4400]  }
0x13c: {  	v9 =	vld [tilespmem:s26+$0x400];
	(xrf2) =	vadd.scan.msk.f32 $0xffff, v21  }
.Ltmp0:
0x13d: {  	v21 =	vadd.f32 v11, v6;
	v10 =	vld [tilespmem:s26+$0x410];
	v5, _, _ =	vpop (xrf2);
	(pc) =	sbr.rel @p0 .LBB2_2-.Ltmp0, $4  }
0x13e: {  	v14 =	vmul.f32 v15, v14;
	v15 =	vmul.f32 v17, v13;
	v12 =	vld [tilespmem:s26+$0x4410]  }
0x13f: {  	v11 =	vld [tilespmem:s26+$0x420];
	(xrf2) =	vadd.scan.msk.f32 $0xffff, v21  }
0x140: {  	v15 =	vadd.f32 v15, v14;
	v13 =	vld [tilespmem:s26+$0x4420];
	v6, _, _ =	vpop (xrf2)  }
0x141: {  	s28 =	sadd.s32 $0x800, s28;
	v16 =	vmul.f32 v16, v18;
	v17 =	vmul.f32 v20, v19;
	v14 =	vld [tilespmem:s26+$0x430]  }
0x142: {  	v18 =	vld [tilespmem:s26+$0x4430]  }
0x143: {  	v19 =	vld [tilespmem:s26+$0x4480]  }
0x144: {  	v20 =	vld [tilespmem:s26+$0x490]  }
0x145: {  	v21 =	vld [tilespmem:s26+$0x4490]  }
0x146: {  	v8 =	vmul.f32 v8, v9;
	v63 =	vld [tilespmem:s26+$0x44E0];
	v62 =	vmul.f32 v12, v10  }
0x147: {  	v24 =	vld [tilespmem:s26+$0x4F0];
	v22 =	vadd.f32 v17, v16;
	v11 =	vmul.f32 v13, v11;
	v23 =	vmul.f32 v18, v14  }
0x148: {  	(xrf2) =	vadd.scan.msk.f32 $0xffff, v15;
	v25 =	vld [tilespmem:s26+$0x44F0];
	v8 =	vadd.f32 v62, v8  }
0x149: {  	v26 =	vld [tilespmem:s26+$0x4540];
	(xrf2) =	vadd.scan.msk.f32 $0xffff, v22;
	v11 =	vadd.f32 v23, v11  }
0x14a: {  	v28 =	vld [tilespmem:s26+$0x550];
	(xrf2) =	vadd.scan.msk.f32 $0xffff, v8;
	v7 =	vmul.f32 v19, v7;
	v27 =	vmul.f32 v21, v20  }
0x14b: {  	v29 =	vld [tilespmem:s26+$0x4550];
	(xrf2) =	vadd.scan.msk.f32 $0xffff, v11  }
0x14c: {  	v30 =	vld [tilespmem:s26+$0x45A0];
	v7 =	vadd.f32 v27, v7  }
0x14d: {  	v31 =	vld [tilespmem:s26+$0x5B0];
	v4 =	vmul.f32 v63, v4;
	v9 =	vmul.f32 v25, v24  }
0x14e: {  	v32 =	vld [tilespmem:s26+$0x45B0];
	(xrf2) =	vadd.scan.msk.f32 $0xffff, v7  }
0x14f: {  	v34 =	vld [tilespmem:s26+$0x5E0];
	v33, _, _ =	vpop (xrf2);
	v4 =	vadd.f32 v9, v4  }
0x150: {  	v37 =	vld [tilespmem:s26+$0x45E0];
	v35, _, _ =	vpop (xrf2);
	v1 =	vmul.f32 v26, v1;
	v36 =	vmul.f32 v29, v28  }
0x151: {  	v39 =	vld [tilespmem:s26+$0x5F0];
	v38, _, _ =	vpop (xrf2);
	(xrf2) =	vadd.scan.msk.f32 $0xffff, v4  }
0x152: {  	v41 =	vld [tilespmem:s26+$0x45F0];
	v1 =	vadd.f32 v36, v1;
	v40, _, _ =	vpop (xrf2)  }
0x153: {  	v0 =	vmul.f32 v30, v0;
	v43 =	vmul.f32 v32, v31;
	v42, _, _ =	vpop (xrf2)  }
0x154: {  	(xrf2) =	vadd.scan.msk.f32 $0xffff, v1;
	v44, _, _ =	vpop (xrf2)  }
0x155: {  	v45 =	vmul.f32 v37, v34;
	v0 =	vadd.f32 v43, v0;
	v46, _, _ =	vpop (xrf2)  }
0x156: {  	v47 =	vbroadcast v44, $0xF;
	v8 =	vbroadcast v46, $0xF  }
0x157: {  	v49 =	vmul.f32 v41, v39;
	(xrf2) =	vadd.scan.msk.f32 $0xffff, v0;
	v48 =	vbroadcast v42, $0xF  }
0x158: {  	v4 =	vbroadcast v40, $0xF;
	v51, _, _ =	vpop (xrf2);
	v50 =	vsel vm0, v47, v8  }
0x159: {  	v1 =	vadd.f32 v49, v45;
	v8 =	vbroadcast v51, $0xF;
	v0 =	vsel vm1, v50, v48  }
0x15a: {  	v52 =	vbroadcast v38, $0xF;
	v0 =	vsel vm2, v0, v4  }
0x15b: {  	v53 =	vbroadcast v35, $0xF;
	v54, _, _ =	vpop (xrf2);
	(xrf2) =	vadd.scan.msk.f32 $0xffff, v1;
	v0 =	vsel vm3, v0, v8  }
0x15c: {  	v55 =	vbroadcast v54, $0xF;
	v0 =	vsel vm4, v0, v52  }
0x15d: {  	v56 =	vbroadcast v33, $0xF;
	v0 =	vsel vm5, v0, v53  }
0x15e: {  	v57 =	vbroadcast v6, $0xF;
	v58, _, _ =	vpop (xrf2);
	v0 =	vsel vm6, v0, v55  }
0x15f: {  	v59 =	vbroadcast v58, $0xF;
	v0 =	vsel vm7, v0, v56  }
0x160: {  	v60 =	vbroadcast v5, $0xF;
	v0 =	vsel vm8, v0, v57  }
0x161: {  	v3 =	vbroadcast v3, $0xF;
	v61, _, _ =	vpop (xrf2);
	v0 =	vsel vm9, v0, v59  }
0x162: {  	v62 =	vbroadcast v61, $0xF;
	v0 =	vsel vm10, v0, v60  }
0x163: {  	v2 =	vbroadcast v2, $0xF;
	v0 =	vsel vm11, v0, v3  }
0x164: {  	v0 =	vsel vm12, v0, v62  }
0x165: {  	v63, _, _ =	vpop (xrf2);
	v0 =	vsel vm13, v0, v2  }
0x166: {  	v0 =	vsel vm14, v0, v63  }
0x167: {  	v0 =	vsub.f32 $0.0e+00, v0;
	_ =	sdelay $0x1  }
0x168: {  	v0 =	vmul.f32 $1.442695020e+00, v0;
	_ =	sdelay $0x1  }
0x169: {  	(erf) = vpow2.f32 v0;
	_ =	sdelay $0x8  }
0x16a: {  	v0 =	vpop (erf)  }
0x16b: {  	v0 =	vadd.f32 $1.000000000e+00, v0;
	_ =	sdelay $0x1  }
0x16c: {  	(erf) = vrcp.f32 v0;
	_ =	sdelay $0x7  }
0x16d: {  	s24 =	sadd.s32 $0x1, s24  }
0x16e: {  	s25 =	sadd.s32 $0x10, s25;
	p0 =	sne.s32 s24, s14;
	v0 =	vpop (erf)  }
.Ltmp1:
0x16f: {  	[tilespmem:s25+$0x0] =	vst v0;
	(pc) =	sbr.rel @p0 .LBB2_1-.Ltmp1, $4  }
0x170: {  	[hbm4b:s13+s2] =	stream.linear.scatter [tilespmem:s1], [sflag:$0x3], $0x200, $0x38;
	[tilespmem:$0x8600] =	vst v63  }
0x171: {  	_ =	swait.ge [sflag:s23], $0x200  }
0x172: {  	[sflag:s23] =	ssyncset.done $0x0  }
0x173: {  	[sflag:s23] =	ssyncadd.s32 $0xFFFFFE00  }
0x174: {  	_ =	sfence.sel $0x180000  }
0x175: {  	[bflag:$0x0] =	sbarrier.arrive $0xFFFF  }
0x176: {  	_ =	strace $0x9000004A  }
0x177: {  	s0 =	stileid.u32;
	[bflag:$0x2] =	sbarrier.arrive $0xFFFF  }
0x178: {  	p0 =	sne.s32 s0, $0x0;
	s0 =	rddreg [dreg:$0x2]  }
0x179: {  	s0 =	sadd.s32 @!p0 $0x100000, s0  }
0x17a: {  	[sflag:s0] =	ssyncadd.tile.s32 @!p0 $0x1;
	_ =	shalt  }
.Lfunc_end2:
_tile_overlayer_lowered:
.L_overlay_start_2:
0x17b: {  	(tag) =	ssettag $0x2  }
0x17c: {  	s0 =	rddreg [dreg:$0x0];
	s2 =	stileid.u32  }
0x17d: {  	s1 =	rddreg [dreg:$0x1];
	p0 =	sne.s32 s2, $0x0  }
0x17e: {  	s3 =	rddreg [dreg:$0x2];
	[bflag:$0x3] =	sbarrier.arrive $0xFFFF;
	s2 =	simm.s32 @!p0 $0x1C03  }
0x17f: {  	[timem:s3], [sflag:s2] =	dma.local @!p0 [hbm:s0], s1  }
0x180: {  	s0 =	simm.s32 @!p0 $0x3  }
0x181: {  	_ =	swait.ge @!p0 [sflag:s0], s1  }
0x182: {  	s1 =	ssub.s32 @!p0 $0x0, s1;
	[sflag:s0] =	ssyncset.done @!p0 $0x0  }
0x183: {  	[sflag:s0] =	ssyncadd.s32 @!p0 s1  }
0x184: {  	[bflag:$0x3] =	sbarrier.arrive $0xFFFF  }
0x185: {  	_ =	shalt  }

</sc_bundles>
